<compile_context>
chip_gen: v7x
topology: tpu7x:2x2x1
jax: 0.10.2.dev20260603
libtpu: 0.0.44.dev20260713+nightly
codegen_flags: <defaults>
</compile_context>

<pallas_src>
import functools
import math

import jax
import jax.numpy as jnp
from jax import lax
from jax.experimental import pallas as pl
from jax.experimental.pallas import tpu as pltpu
from jax.experimental.pallas import tpu_sc as plsc

_NC = 2
_NS = 16
_NW = _NC * _NS
_LANES = 16
_CHUNK_ROWS = 16
_NBUF = 7


def _sc_body(scale, n_chunks, d, in_hbm, out_hbm, *scratch):
    bufs = scratch[:_NBUF]
    isems = scratch[_NBUF:2 * _NBUF]
    osems = scratch[2 * _NBUF:3 * _NBUF]
    wid = lax.axis_index("s") * _NC + lax.axis_index("c")
    base = wid * (n_chunks * _CHUNK_ROWS)
    vecs_per_row = d // _LANES
    assert vecs_per_row & (vecs_per_row - 1) == 0
    row_shift = vecs_per_row.bit_length() - 1
    vecs = _CHUNK_ROWS * vecs_per_row

    def src(c):
        return in_hbm.at[pl.ds(base + c * _CHUNK_ROWS, _CHUNK_ROWS), :]

    def dst(c):
        return out_hbm.at[pl.ds(base + c * _CHUNK_ROWS, _CHUNK_ROWS), :]

    in_h = {}
    out_h = {}
    for j in range(min(_NBUF - 1, n_chunks)):
        in_h[j] = pltpu.async_copy(src(j), bufs[j % _NBUF], isems[j % _NBUF])
    for c in range(n_chunks):
        b = c % _NBUF
        nxt = c + _NBUF - 1
        if nxt < n_chunks:
            if c - 1 >= 0:
                out_h[c - 1].wait()
            in_h[nxt] = pltpu.async_copy(
                src(nxt), bufs[nxt % _NBUF], isems[nxt % _NBUF])
        in_h[c].wait()

        @plsc.parallel_loop(0, vecs, step=1, unroll=8)
        def _scale_one(i):
            r = lax.shift_right_logical(i, row_shift)
            col = pl.multiple_of(
                lax.shift_left(lax.bitwise_and(i, vecs_per_row - 1), 4),
                _LANES)
            sl = pl.ds(col, _LANES)
            bufs[b][r, sl] = bufs[b][r, sl] * scale

        out_h[c] = pltpu.async_copy(bufs[b], dst(c), osems[b])
    for c in range(max(0, n_chunks - _NBUF), n_chunks):
        out_h[c].wait()


def kernel(x, embed):
    s = x.shape[-2]
    d = embed.shape[-1]
    scale = 1.0 / math.sqrt(d)
    assert s % (_NW * _CHUNK_ROWS) == 0 and d % _LANES == 0
    n_chunks = s // (_NW * _CHUNK_ROWS)

    mesh = plsc.VectorSubcoreMesh(
        core_axis_name="c", subcore_axis_name="s",
        num_cores=_NC, num_subcores=_NS)
    run = pl.kernel(
        functools.partial(_sc_body, scale, n_chunks, d),
        out_type=jax.ShapeDtypeStruct((s, d), embed.dtype),
        mesh=mesh,
        scratch_types=(
            [pltpu.VMEM((_CHUNK_ROWS, d), embed.dtype) for _ in range(_NBUF)]
            + [pltpu.SemaphoreType.DMA] * (2 * _NBUF)
        ),
    )
    return run(embed[:s])

# --- scband reference (transcript-rebuilt; emitter-appended) ---
"""Pipeline reference for scband-absolute-positional-embedding-6923487281588 (READ-ONLY COPY).

The authoritative reference and input builder live on the scoring server;
editing this copy changes nothing except your own understanding.
"""

import jax, jax.numpy as jnp
import numpy as np
from math import sqrt

DIM = 1024
MAX_TOKENS = 8192
BATCH = 2
SEQ = 8192

def setup_inputs(seed: int = 0) -> dict:
    key = jax.random.key(seed)
    k1, k2 = jax.random.split(key)
    x = jax.random.normal(k1, (BATCH, SEQ, DIM), dtype=jnp.float32)
    embed = jax.random.normal(k2, (MAX_TOKENS, DIM), dtype=jnp.float32) * 0.02
    return {"x": x, "embed": embed}

def reference(x, embed):
    scale = 1.0 / sqrt(DIM)
    s = x.shape[-2]
    pos = jnp.arange(s)
    return jnp.take(embed, pos, axis=0) * scale

if __name__ == "__main__":
    import jax
    _d = setup_inputs()
    print(jax.jit(kernel)(*tuple(_d.values())))

</pallas_src>

<mosaic_0001>
#map = affine_map<(d0, d1) -> (0, 0)>
module attributes {stable_mosaic.version = 14 : i64} {
  func.func @_sc_body(%arg0: i32, %arg1: i32, %arg2: memref<8192x1024xf32, #tpu.memory_space<hbm>>, %arg3: memref<8192x1024xf32, #tpu.memory_space<hbm>>, %arg4: memref<16x1024xf32, #tpu.memory_space<vmem>>, %arg5: memref<16x1024xf32, #tpu.memory_space<vmem>>, %arg6: memref<16x1024xf32, #tpu.memory_space<vmem>>, %arg7: memref<16x1024xf32, #tpu.memory_space<vmem>>, %arg8: memref<16x1024xf32, #tpu.memory_space<vmem>>, %arg9: memref<16x1024xf32, #tpu.memory_space<vmem>>, %arg10: memref<16x1024xf32, #tpu.memory_space<vmem>>, %arg11: memref<!tpu.dma_semaphore, #tpu.memory_space<semaphore_mem>>, %arg12: memref<!tpu.dma_semaphore, #tpu.memory_space<semaphore_mem>>, %arg13: memref<!tpu.dma_semaphore, #tpu.memory_space<semaphore_mem>>, %arg14: memref<!tpu.dma_semaphore, #tpu.memory_space<semaphore_mem>>, %arg15: memref<!tpu.dma_semaphore, #tpu.memory_space<semaphore_mem>>, %arg16: memref<!tpu.dma_semaphore, #tpu.memory_space<semaphore_mem>>, %arg17: memref<!tpu.dma_semaphore, #tpu.memory_space<semaphore_mem>>, %arg18: memref<!tpu.dma_semaphore, #tpu.memory_space<semaphore_mem>>, %arg19: memref<!tpu.dma_semaphore, #tpu.memory_space<semaphore_mem>>, %arg20: memref<!tpu.dma_semaphore, #tpu.memory_space<semaphore_mem>>, %arg21: memref<!tpu.dma_semaphore, #tpu.memory_space<semaphore_mem>>, %arg22: memref<!tpu.dma_semaphore, #tpu.memory_space<semaphore_mem>>, %arg23: memref<!tpu.dma_semaphore, #tpu.memory_space<semaphore_mem>>, %arg24: memref<!tpu.dma_semaphore, #tpu.memory_space<semaphore_mem>>) attributes {dimension_semantics = [#tpu.dimension_semantics<core_parallel>, #tpu.dimension_semantics<subcore_parallel>], iteration_bounds = array<i64: 2, 16>, scalar_prefetch = 0 : i64, scratch_operands = 21 : i64, tpu.core_type = #tpu.core_type<sc_vector_subcore>, window_params = [{transform_indices = #map}, {transform_indices = #map}]} {
    %mul3A = arith.constant 2 : i32
    %mul3A_0 = arith.muli %arg1, %mul3A : i32
    %add3A = arith.addi %mul3A_0, %arg0 : i32
    %mul3A_1 = arith.constant 256 : i32
    %mul3A_2 = arith.muli %add3A, %mul3A_1 : i32
    %add3A_3 = arith.constant 0 : i32
    %add3A_4 = arith.addi %mul3A_2, %add3A_3 : i32
    %dma_start3A = arith.constant 0 : i32
    %dma_start3A_5 = tpu.memref_slice %arg2[%add3A_4, %dma_start3A] : memref<8192x1024xf32, #tpu.memory_space<hbm>> -> memref<16x1024xf32, #tpu.memory_space<hbm>>
    %dma_start3A_6 = arith.constant 0 : i32
    %dma_start3A_7 = tpu.memref_slice %arg2[%add3A_4, %dma_start3A_6] : memref<8192x1024xf32, #tpu.memory_space<hbm>> -> memref<16x1024xf32, #tpu.memory_space<hbm>>
    tpu.enqueue_dma source(%dma_start3A_7 : memref<16x1024xf32, #tpu.memory_space<hbm>>) target(%arg4 : memref<16x1024xf32, #tpu.memory_space<vmem>>) target_semaphore(%arg11 : memref<!tpu.dma_semaphore, #tpu.memory_space<semaphore_mem>>)
    %add3A_8 = arith.constant 16 : i32
    %add3A_9 = arith.addi %mul3A_2, %add3A_8 : i32
    %dma_start3A_10 = arith.constant 0 : i32
    %dma_start3A_11 = tpu.memref_slice %arg2[%add3A_9, %dma_start3A_10] : memref<8192x1024xf32, #tpu.memory_space<hbm>> -> memref<16x1024xf32, #tpu.memory_space<hbm>>
    %dma_start3A_12 = arith.constant 0 : i32
    %dma_start3A_13 = tpu.memref_slice %arg2[%add3A_9, %dma_start3A_12] : memref<8192x1024xf32, #tpu.memory_space<hbm>> -> memref<16x1024xf32, #tpu.memory_space<hbm>>
    tpu.enqueue_dma source(%dma_start3A_13 : memref<16x1024xf32, #tpu.memory_space<hbm>>) target(%arg5 : memref<16x1024xf32, #tpu.memory_space<vmem>>) target_semaphore(%arg12 : memref<!tpu.dma_semaphore, #tpu.memory_space<semaphore_mem>>)
    %add3A_14 = arith.constant 32 : i32
    %add3A_15 = arith.addi %mul3A_2, %add3A_14 : i32
    %dma_start3A_16 = arith.constant 0 : i32
    %dma_start3A_17 = tpu.memref_slice %arg2[%add3A_15, %dma_start3A_16] : memref<8192x1024xf32, #tpu.memory_space<hbm>> -> memref<16x1024xf32, #tpu.memory_space<hbm>>
    %dma_start3A_18 = arith.constant 0 : i32
    %dma_start3A_19 = tpu.memref_slice %arg2[%add3A_15, %dma_start3A_18] : memref<8192x1024xf32, #tpu.memory_space<hbm>> -> memref<16x1024xf32, #tpu.memory_space<hbm>>
    tpu.enqueue_dma source(%dma_start3A_19 : memref<16x1024xf32, #tpu.memory_space<hbm>>) target(%arg6 : memref<16x1024xf32, #tpu.memory_space<vmem>>) target_semaphore(%arg13 : memref<!tpu.dma_semaphore, #tpu.memory_space<semaphore_mem>>)
    %add3A_20 = arith.constant 48 : i32
    %add3A_21 = arith.addi %mul3A_2, %add3A_20 : i32
    %dma_start3A_22 = arith.constant 0 : i32
    %dma_start3A_23 = tpu.memref_slice %arg2[%add3A_21, %dma_start3A_22] : memref<8192x1024xf32, #tpu.memory_space<hbm>> -> memref<16x1024xf32, #tpu.memory_space<hbm>>
    %dma_start3A_24 = arith.constant 0 : i32
    %dma_start3A_25 = tpu.memref_slice %arg2[%add3A_21, %dma_start3A_24] : memref<8192x1024xf32, #tpu.memory_space<hbm>> -> memref<16x1024xf32, #tpu.memory_space<hbm>>
    tpu.enqueue_dma source(%dma_start3A_25 : memref<16x1024xf32, #tpu.memory_space<hbm>>) target(%arg7 : memref<16x1024xf32, #tpu.memory_space<vmem>>) target_semaphore(%arg14 : memref<!tpu.dma_semaphore, #tpu.memory_space<semaphore_mem>>)
    %add3A_26 = arith.constant 64 : i32
    %add3A_27 = arith.addi %mul3A_2, %add3A_26 : i32
    %dma_start3A_28 = arith.constant 0 : i32
    %dma_start3A_29 = tpu.memref_slice %arg2[%add3A_27, %dma_start3A_28] : memref<8192x1024xf32, #tpu.memory_space<hbm>> -> memref<16x1024xf32, #tpu.memory_space<hbm>>
    %dma_start3A_30 = arith.constant 0 : i32
    %dma_start3A_31 = tpu.memref_slice %arg2[%add3A_27, %dma_start3A_30] : memref<8192x1024xf32, #tpu.memory_space<hbm>> -> memref<16x1024xf32, #tpu.memory_space<hbm>>
    tpu.enqueue_dma source(%dma_start3A_31 : memref<16x1024xf32, #tpu.memory_space<hbm>>) target(%arg8 : memref<16x1024xf32, #tpu.memory_space<vmem>>) target_semaphore(%arg15 : memref<!tpu.dma_semaphore, #tpu.memory_space<semaphore_mem>>)
    %add3A_32 = arith.constant 80 : i32
    %add3A_33 = arith.addi %mul3A_2, %add3A_32 : i32
    %dma_start3A_34 = arith.constant 0 : i32
    %dma_start3A_35 = tpu.memref_slice %arg2[%add3A_33, %dma_start3A_34] : memref<8192x1024xf32, #tpu.memory_space<hbm>> -> memref<16x1024xf32, #tpu.memory_space<hbm>>
    %dma_start3A_36 = arith.constant 0 : i32
    %dma_start3A_37 = tpu.memref_slice %arg2[%add3A_33, %dma_start3A_36] : memref<8192x1024xf32, #tpu.memory_space<hbm>> -> memref<16x1024xf32, #tpu.memory_space<hbm>>
    tpu.enqueue_dma source(%dma_start3A_37 : memref<16x1024xf32, #tpu.memory_space<hbm>>) target(%arg9 : memref<16x1024xf32, #tpu.memory_space<vmem>>) target_semaphore(%arg16 : memref<!tpu.dma_semaphore, #tpu.memory_space<semaphore_mem>>)
    %add3A_38 = arith.constant 96 : i32
    %add3A_39 = arith.addi %mul3A_2, %add3A_38 : i32
    %dma_start3A_40 = arith.constant 0 : i32
    %dma_start3A_41 = tpu.memref_slice %arg2[%add3A_39, %dma_start3A_40] : memref<8192x1024xf32, #tpu.memory_space<hbm>> -> memref<16x1024xf32, #tpu.memory_space<hbm>>
    %dma_start3A_42 = arith.constant 0 : i32
    %dma_start3A_43 = tpu.memref_slice %arg2[%add3A_39, %dma_start3A_42] : memref<8192x1024xf32, #tpu.memory_space<hbm>> -> memref<16x1024xf32, #tpu.memory_space<hbm>>
    tpu.enqueue_dma source(%dma_start3A_43 : memref<16x1024xf32, #tpu.memory_space<hbm>>) target(%arg10 : memref<16x1024xf32, #tpu.memory_space<vmem>>) target_semaphore(%arg17 : memref<!tpu.dma_semaphore, #tpu.memory_space<semaphore_mem>>)
    %dma_wait3A = arith.constant 0 : i32
    %dma_wait3A_44 = tpu.memref_slice %arg2[%add3A_4, %dma_wait3A] : memref<8192x1024xf32, #tpu.memory_space<hbm>> -> memref<16x1024xf32, #tpu.memory_space<hbm>>
    %dma_wait3A_45 = arith.constant 0 : i32
    %dma_wait3A_46 = tpu.memref_slice %arg2[%add3A_4, %dma_wait3A_45] : memref<8192x1024xf32, #tpu.memory_space<hbm>> -> memref<16x1024xf32, #tpu.memory_space<hbm>>
    tpu.wait_dma2 semaphore(%arg11 : memref<!tpu.dma_semaphore, #tpu.memory_space<semaphore_mem>>) src(%dma_wait3A_46 : memref<16x1024xf32, #tpu.memory_space<hbm>>) dst(%arg4 : memref<16x1024xf32, #tpu.memory_space<vmem>>)
    %parallel_loop3A = arith.constant 0 : i32
    %parallel_loop3A_47 = arith.constant 1024 : i32
    %parallel_loop3A_48 = arith.constant 1 : i32
    scf.for %parallel_loop3A_368 = %parallel_loop3A to %parallel_loop3A_47 step %parallel_loop3A_48  : i32 {
      %parallel_loop3A_369 = arith.constant 6 : i32
      %parallel_loop3A_370 = arith.shrui %parallel_loop3A_368, %parallel_loop3A_369 : i32
      %parallel_loop3A_371 = arith.constant 63 : i32
      %parallel_loop3A_372 = arith.andi %parallel_loop3A_368, %parallel_loop3A_371 : i32
      %parallel_loop3A_373 = arith.constant 4 : i32
      %parallel_loop3A_374 = arith.shli %parallel_loop3A_372, %parallel_loop3A_373 : i32
      %parallel_loop3A_375 = tpu.assume_multiple %parallel_loop3A_374, 16 : i32
      %parallel_loop3A_376 = arith.index_cast %parallel_loop3A_370 : i32 to index
      %parallel_loop3A_377 = arith.index_cast %parallel_loop3A_375 : i32 to index
      %parallel_loop3A_378 = tpu.vector_load %arg4[%parallel_loop3A_376, %parallel_loop3A_377] {strides = array<i32>} : memref<16x1024xf32, #tpu.memory_space<vmem>>, vector<1x16xf32>,
      %parallel_loop3A_379 = vector.shape_cast %parallel_loop3A_378 : vector<1x16xf32> to vector<16xf32>
      %parallel_loop3A_380 = arith.constant 3.125000e-02 : f32
      %parallel_loop3A_381 = vector.broadcast %parallel_loop3A_380 : f32 to vector<16xf32>
      %parallel_loop3A_382 = arith.mulf %parallel_loop3A_379, %parallel_loop3A_381 : vector<16xf32>
      %parallel_loop3A_383 = arith.index_cast %parallel_loop3A_370 : i32 to index
      %parallel_loop3A_384 = arith.index_cast %parallel_loop3A_375 : i32 to index
      %parallel_loop3A_385 = tpu.vector_load %arg4[%parallel_loop3A_383, %parallel_loop3A_384] {strides = array<i32>} : memref<16x1024xf32, #tpu.memory_space<vmem>>, vector<1x16xf32>,
      %parallel_loop3A_386 = vector.shape_cast %parallel_loop3A_385 : vector<1x16xf32> to vector<16xf32>
      %parallel_loop3A_387 = vector.shape_cast %parallel_loop3A_382 : vector<16xf32> to vector<1x16xf32>
      tpu.vector_store %arg4[%parallel_loop3A_383, %parallel_loop3A_384], %parallel_loop3A_387 {strides = array<i32>} : memref<16x1024xf32, #tpu.memory_space<vmem>>, vector<1x16xf32>,
    } {sc.loop_unroll_factor = 8 : i64, sc.parallel_access}
    %add3A_49 = arith.constant 0 : i32
    %add3A_50 = arith.addi %mul3A_2, %add3A_49 : i32
    %dma_start3A_51 = arith.constant 0 : i32
    %dma_start3A_52 = tpu.memref_slice %arg3[%add3A_50, %dma_start3A_51] : memref<8192x1024xf32, #tpu.memory_space<hbm>> -> memref<16x1024xf32, #tpu.memory_space<hbm>>
    %dma_start3A_53 = arith.constant 0 : i32
    %dma_start3A_54 = tpu.memref_slice %arg3[%add3A_50, %dma_start3A_53] : memref<8192x1024xf32, #tpu.memory_space<hbm>> -> memref<16x1024xf32, #tpu.memory_space<hbm>>
    tpu.enqueue_dma source(%arg4 : memref<16x1024xf32, #tpu.memory_space<vmem>>) target(%dma_start3A_54 : memref<16x1024xf32, #tpu.memory_space<hbm>>) target_semaphore(%arg18 : memref<!tpu.dma_semaphore, #tpu.memory_space<semaphore_mem>>)
    %dma_wait3A_55 = arith.constant 0 : i32
    %dma_wait3A_56 = tpu.memref_slice %arg3[%add3A_50, %dma_wait3A_55] : memref<8192x1024xf32, #tpu.memory_space<hbm>> -> memref<16x1024xf32, #tpu.memory_space<hbm>>
    %dma_wait3A_57 = arith.constant 0 : i32
    %dma_wait3A_58 = tpu.memref_slice %arg3[%add3A_50, %dma_wait3A_57] : memref<8192x1024xf32, #tpu.memory_space<hbm>> -> memref<16x1024xf32, #tpu.memory_space<hbm>>
    tpu.wait_dma2 semaphore(%arg18 : memref<!tpu.dma_semaphore, #tpu.memory_space<semaphore_mem>>) src(%arg4 : memref<16x1024xf32, #tpu.memory_space<vmem>>) dst(%dma_wait3A_58 : memref<16x1024xf32, #tpu.memory_space<hbm>>)
    %add3A_59 = arith.constant 112 : i32
    %add3A_60 = arith.addi %mul3A_2, %add3A_59 : i32
    %dma_start3A_61 = arith.constant 0 : i32
    %dma_start3A_62 = tpu.memref_slice %arg2[%add3A_60, %dma_start3A_61] : memref<8192x1024xf32, #tpu.memory_space<hbm>> -> memref<16x1024xf32, #tpu.memory_space<hbm>>
    %dma_start3A_63 = arith.constant 0 : i32
    %dma_start3A_64 = tpu.memref_slice %arg2[%add3A_60, %dma_start3A_63] : memref<8192x1024xf32, #tpu.memory_space<hbm>> -> memref<16x1024xf32, #tpu.memory_space<hbm>>
    tpu.enqueue_dma source(%dma_start3A_64 : memref<16x1024xf32, #tpu.memory_space<hbm>>) target(%arg4 : memref<16x1024xf32, #tpu.memory_space<vmem>>) target_semaphore(%arg11 : memref<!tpu.dma_semaphore, #tpu.memory_space<semaphore_mem>>)
    %dma_wait3A_65 = arith.constant 0 : i32
    %dma_wait3A_66 = tpu.memref_slice %arg2[%add3A_9, %dma_wait3A_65] : memref<8192x1024xf32, #tpu.memory_space<hbm>> -> memref<16x1024xf32, #tpu.memory_space<hbm>>
    %dma_wait3A_67 = arith.constant 0 : i32
    %dma_wait3A_68 = tpu.memref_slice %arg2[%add3A_9, %dma_wait3A_67] : memref<8192x1024xf32, #tpu.memory_space<hbm>> -> memref<16x1024xf32, #tpu.memory_space<hbm>>
    tpu.wait_dma2 semaphore(%arg12 : memref<!tpu.dma_semaphore, #tpu.memory_space<semaphore_mem>>) src(%dma_wait3A_68 : memref<16x1024xf32, #tpu.memory_space<hbm>>) dst(%arg5 : memref<16x1024xf32, #tpu.memory_space<vmem>>)
    %parallel_loop3A_69 = arith.constant 0 : i32
    %parallel_loop3A_70 = arith.constant 1024 : i32
    %parallel_loop3A_71 = arith.constant 1 : i32
    scf.for %parallel_loop3A_368 = %parallel_loop3A_69 to %parallel_loop3A_70 step %parallel_loop3A_71  : i32 {
      %parallel_loop3A_369 = arith.constant 6 : i32
      %parallel_loop3A_370 = arith.shrui %parallel_loop3A_368, %parallel_loop3A_369 : i32
      %parallel_loop3A_371 = arith.constant 63 : i32
      %parallel_loop3A_372 = arith.andi %parallel_loop3A_368, %parallel_loop3A_371 : i32
      %parallel_loop3A_373 = arith.constant 4 : i32
      %parallel_loop3A_374 = arith.shli %parallel_loop3A_372, %parallel_loop3A_373 : i32
      %parallel_loop3A_375 = tpu.assume_multiple %parallel_loop3A_374, 16 : i32
      %parallel_loop3A_376 = arith.index_cast %parallel_loop3A_370 : i32 to index
      %parallel_loop3A_377 = arith.index_cast %parallel_loop3A_375 : i32 to index
      %parallel_loop3A_378 = tpu.vector_load %arg5[%parallel_loop3A_376, %parallel_loop3A_377] {strides = array<i32>} : memref<16x1024xf32, #tpu.memory_space<vmem>>, vector<1x16xf32>,
      %parallel_loop3A_379 = vector.shape_cast %parallel_loop3A_378 : vector<1x16xf32> to vector<16xf32>
      %parallel_loop3A_380 = arith.constant 3.125000e-02 : f32
      %parallel_loop3A_381 = vector.broadcast %parallel_loop3A_380 : f32 to vector<16xf32>
      %parallel_loop3A_382 = arith.mulf %parallel_loop3A_379, %parallel_loop3A_381 : vector<16xf32>
      %parallel_loop3A_383 = arith.index_cast %parallel_loop3A_370 : i32 to index
      %parallel_loop3A_384 = arith.index_cast %parallel_loop3A_375 : i32 to index
      %parallel_loop3A_385 = tpu.vector_load %arg5[%parallel_loop3A_383, %parallel_loop3A_384] {strides = array<i32>} : memref<16x1024xf32, #tpu.memory_space<vmem>>, vector<1x16xf32>,
      %parallel_loop3A_386 = vector.shape_cast %parallel_loop3A_385 : vector<1x16xf32> to vector<16xf32>
      %parallel_loop3A_387 = vector.shape_cast %parallel_loop3A_382 : vector<16xf32> to vector<1x16xf32>
      tpu.vector_store %arg5[%parallel_loop3A_383, %parallel_loop3A_384], %parallel_loop3A_387 {strides = array<i32>} : memref<16x1024xf32, #tpu.memory_space<vmem>>, vector<1x16xf32>,
    } {sc.loop_unroll_factor = 8 : i64, sc.parallel_access}
    %add3A_72 = arith.constant 16 : i32
    %add3A_73 = arith.addi %mul3A_2, %add3A_72 : i32
    %dma_start3A_74 = arith.constant 0 : i32
    %dma_start3A_75 = tpu.memref_slice %arg3[%add3A_73, %dma_start3A_74] : memref<8192x1024xf32, #tpu.memory_space<hbm>> -> memref<16x1024xf32, #tpu.memory_space<hbm>>
    %dma_start3A_76 = arith.constant 0 : i32
    %dma_start3A_77 = tpu.memref_slice %arg3[%add3A_73, %dma_start3A_76] : memref<8192x1024xf32, #tpu.memory_space<hbm>> -> memref<16x1024xf32, #tpu.memory_space<hbm>>
    tpu.enqueue_dma source(%arg5 : memref<16x1024xf32, #tpu.memory_space<vmem>>) target(%dma_start3A_77 : memref<16x1024xf32, #tpu.memory_space<hbm>>) target_semaphore(%arg19 : memref<!tpu.dma_semaphore, #tpu.memory_space<semaphore_mem>>)
    %dma_wait3A_78 = arith.constant 0 : i32
    %dma_wait3A_79 = tpu.memref_slice %arg3[%add3A_73, %dma_wait3A_78] : memref<8192x1024xf32, #tpu.memory_space<hbm>> -> memref<16x1024xf32, #tpu.memory_space<hbm>>
    %dma_wait3A_80 = arith.constant 0 : i32
    %dma_wait3A_81 = tpu.memref_slice %arg3[%add3A_73, %dma_wait3A_80] : memref<8192x1024xf32, #tpu.memory_space<hbm>> -> memref<16x1024xf32, #tpu.memory_space<hbm>>
    tpu.wait_dma2 semaphore(%arg19 : memref<!tpu.dma_semaphore, #tpu.memory_space<semaphore_mem>>) src(%arg5 : memref<16x1024xf32, #tpu.memory_space<vmem>>) dst(%dma_wait3A_81 : memref<16x1024xf32, #tpu.memory_space<hbm>>)
    %add3A_82 = arith.constant 128 : i32
    %add3A_83 = arith.addi %mul3A_2, %add3A_82 : i32
    %dma_start3A_84 = arith.constant 0 : i32
    %dma_start3A_85 = tpu.memref_slice %arg2[%add3A_83, %dma_start3A_84] : memref<8192x1024xf32, #tpu.memory_space<hbm>> -> memref<16x1024xf32, #tpu.memory_space<hbm>>
    %dma_start3A_86 = arith.constant 0 : i32
    %dma_start3A_87 = tpu.memref_slice %arg2[%add3A_83, %dma_start3A_86] : memref<8192x1024xf32, #tpu.memory_space<hbm>> -> memref<16x1024xf32, #tpu.memory_space<hbm>>
    tpu.enqueue_dma source(%dma_start3A_87 : memref<16x1024xf32, #tpu.memory_space<hbm>>) target(%arg5 : memref<16x1024xf32, #tpu.memory_space<vmem>>) target_semaphore(%arg12 : memref<!tpu.dma_semaphore, #tpu.memory_space<semaphore_mem>>)
    %dma_wait3A_88 = arith.constant 0 : i32
    %dma_wait3A_89 = tpu.memref_slice %arg2[%add3A_15, %dma_wait3A_88] : memref<8192x1024xf32, #tpu.memory_space<hbm>> -> memref<16x1024xf32, #tpu.memory_space<hbm>>
    %dma_wait3A_90 = arith.constant 0 : i32
    %dma_wait3A_91 = tpu.memref_slice %arg2[%add3A_15, %dma_wait3A_90] : memref<8192x1024xf32, #tpu.memory_space<hbm>> -> memref<16x1024xf32, #tpu.memory_space<hbm>>
    tpu.wait_dma2 semaphore(%arg13 : memref<!tpu.dma_semaphore, #tpu.memory_space<semaphore_mem>>) src(%dma_wait3A_91 : memref<16x1024xf32, #tpu.memory_space<hbm>>) dst(%arg6 : memref<16x1024xf32, #tpu.memory_space<vmem>>)
    %parallel_loop3A_92 = arith.constant 0 : i32
    %parallel_loop3A_93 = arith.constant 1024 : i32
    %parallel_loop3A_94 = arith.constant 1 : i32
    scf.for %parallel_loop3A_368 = %parallel_loop3A_92 to %parallel_loop3A_93 step %parallel_loop3A_94  : i32 {
      %parallel_loop3A_369 = arith.constant 6 : i32
      %parallel_loop3A_370 = arith.shrui %parallel_loop3A_368, %parallel_loop3A_369 : i32
      %parallel_loop3A_371 = arith.constant 63 : i32
      %parallel_loop3A_372 = arith.andi %parallel_loop3A_368, %parallel_loop3A_371 : i32
      %parallel_loop3A_373 = arith.constant 4 : i32
      %parallel_loop3A_374 = arith.shli %parallel_loop3A_372, %parallel_loop3A_373 : i32
      %parallel_loop3A_375 = tpu.assume_multiple %parallel_loop3A_374, 16 : i32
      %parallel_loop3A_376 = arith.index_cast %parallel_loop3A_370 : i32 to index
      %parallel_loop3A_377 = arith.index_cast %parallel_loop3A_375 : i32 to index
      %parallel_loop3A_378 = tpu.vector_load %arg6[%parallel_loop3A_376, %parallel_loop3A_377] {strides = array<i32>} : memref<16x1024xf32, #tpu.memory_space<vmem>>, vector<1x16xf32>,
      %parallel_loop3A_379 = vector.shape_cast %parallel_loop3A_378 : vector<1x16xf32> to vector<16xf32>
      %parallel_loop3A_380 = arith.constant 3.125000e-02 : f32
      %parallel_loop3A_381 = vector.broadcast %parallel_loop3A_380 : f32 to vector<16xf32>
      %parallel_loop3A_382 = arith.mulf %parallel_loop3A_379, %parallel_loop3A_381 : vector<16xf32>
      %parallel_loop3A_383 = arith.index_cast %parallel_loop3A_370 : i32 to index
      %parallel_loop3A_384 = arith.index_cast %parallel_loop3A_375 : i32 to index
      %parallel_loop3A_385 = tpu.vector_load %arg6[%parallel_loop3A_383, %parallel_loop3A_384] {strides = array<i32>} : memref<16x1024xf32, #tpu.memory_space<vmem>>, vector<1x16xf32>,
      %parallel_loop3A_386 = vector.shape_cast %parallel_loop3A_385 : vector<1x16xf32> to vector<16xf32>
      %parallel_loop3A_387 = vector.shape_cast %parallel_loop3A_382 : vector<16xf32> to vector<1x16xf32>
      tpu.vector_store %arg6[%parallel_loop3A_383, %parallel_loop3A_384], %parallel_loop3A_387 {strides = array<i32>} : memref<16x1024xf32, #tpu.memory_space<vmem>>, vector<1x16xf32>,
    } {sc.loop_unroll_factor = 8 : i64, sc.parallel_access}
    %add3A_95 = arith.constant 32 : i32
    %add3A_96 = arith.addi %mul3A_2, %add3A_95 : i32
    %dma_start3A_97 = arith.constant 0 : i32
    %dma_start3A_98 = tpu.memref_slice %arg3[%add3A_96, %dma_start3A_97] : memref<8192x1024xf32, #tpu.memory_space<hbm>> -> memref<16x1024xf32, #tpu.memory_space<hbm>>
    %dma_start3A_99 = arith.constant 0 : i32
    %dma_start3A_100 = tpu.memref_slice %arg3[%add3A_96, %dma_start3A_99] : memref<8192x1024xf32, #tpu.memory_space<hbm>> -> memref<16x1024xf32, #tpu.memory_space<hbm>>
    tpu.enqueue_dma source(%arg6 : memref<16x1024xf32, #tpu.memory_space<vmem>>) target(%dma_start3A_100 : memref<16x1024xf32, #tpu.memory_space<hbm>>) target_semaphore(%arg20 : memref<!tpu.dma_semaphore, #tpu.memory_space<semaphore_mem>>)
    %dma_wait3A_101 = arith.constant 0 : i32
    %dma_wait3A_102 = tpu.memref_slice %arg3[%add3A_96, %dma_wait3A_101] : memref<8192x1024xf32, #tpu.memory_space<hbm>> -> memref<16x1024xf32, #tpu.memory_space<hbm>>
    %dma_wait3A_103 = arith.constant 0 : i32
    %dma_wait3A_104 = tpu.memref_slice %arg3[%add3A_96, %dma_wait3A_103] : memref<8192x1024xf32, #tpu.memory_space<hbm>> -> memref<16x1024xf32, #tpu.memory_space<hbm>>
    tpu.wait_dma2 semaphore(%arg20 : memref<!tpu.dma_semaphore, #tpu.memory_space<semaphore_mem>>) src(%arg6 : memref<16x1024xf32, #tpu.memory_space<vmem>>) dst(%dma_wait3A_104 : memref<16x1024xf32, #tpu.memory_space<hbm>>)
    %add3A_105 = arith.constant 144 : i32
    %add3A_106 = arith.addi %mul3A_2, %add3A_105 : i32
    %dma_start3A_107 = arith.constant 0 : i32
    %dma_start3A_108 = tpu.memref_slice %arg2[%add3A_106, %dma_start3A_107] : memref<8192x1024xf32, #tpu.memory_space<hbm>> -> memref<16x1024xf32, #tpu.memory_space<hbm>>
    %dma_start3A_109 = arith.constant 0 : i32
    %dma_start3A_110 = tpu.memref_slice %arg2[%add3A_106, %dma_start3A_109] : memref<8192x1024xf32, #tpu.memory_space<hbm>> -> memref<16x1024xf32, #tpu.memory_space<hbm>>
    tpu.enqueue_dma source(%dma_start3A_110 : memref<16x1024xf32, #tpu.memory_space<hbm>>) target(%arg6 : memref<16x1024xf32, #tpu.memory_space<vmem>>) target_semaphore(%arg13 : memref<!tpu.dma_semaphore, #tpu.memory_space<semaphore_mem>>)
    %dma_wait3A_111 = arith.constant 0 : i32
    %dma_wait3A_112 = tpu.memref_slice %arg2[%add3A_21, %dma_wait3A_111] : memref<8192x1024xf32, #tpu.memory_space<hbm>> -> memref<16x1024xf32, #tpu.memory_space<hbm>>
    %dma_wait3A_113 = arith.constant 0 : i32
    %dma_wait3A_114 = tpu.memref_slice %arg2[%add3A_21, %dma_wait3A_113] : memref<8192x1024xf32, #tpu.memory_space<hbm>> -> memref<16x1024xf32, #tpu.memory_space<hbm>>
    tpu.wait_dma2 semaphore(%arg14 : memref<!tpu.dma_semaphore, #tpu.memory_space<semaphore_mem>>) src(%dma_wait3A_114 : memref<16x1024xf32, #tpu.memory_space<hbm>>) dst(%arg7 : memref<16x1024xf32, #tpu.memory_space<vmem>>)
    %parallel_loop3A_115 = arith.constant 0 : i32
    %parallel_loop3A_116 = arith.constant 1024 : i32
    %parallel_loop3A_117 = arith.constant 1 : i32
    scf.for %parallel_loop3A_368 = %parallel_loop3A_115 to %parallel_loop3A_116 step %parallel_loop3A_117  : i32 {
      %parallel_loop3A_369 = arith.constant 6 : i32
      %parallel_loop3A_370 = arith.shrui %parallel_loop3A_368, %parallel_loop3A_369 : i32
      %parallel_loop3A_371 = arith.constant 63 : i32
      %parallel_loop3A_372 = arith.andi %parallel_loop3A_368, %parallel_loop3A_371 : i32
      %parallel_loop3A_373 = arith.constant 4 : i32
      %parallel_loop3A_374 = arith.shli %parallel_loop3A_372, %parallel_loop3A_373 : i32
      %parallel_loop3A_375 = tpu.assume_multiple %parallel_loop3A_374, 16 : i32
      %parallel_loop3A_376 = arith.index_cast %parallel_loop3A_370 : i32 to index
      %parallel_loop3A_377 = arith.index_cast %parallel_loop3A_375 : i32 to index
      %parallel_loop3A_378 = tpu.vector_load %arg7[%parallel_loop3A_376, %parallel_loop3A_377] {strides = array<i32>} : memref<16x1024xf32, #tpu.memory_space<vmem>>, vector<1x16xf32>,
      %parallel_loop3A_379 = vector.shape_cast %parallel_loop3A_378 : vector<1x16xf32> to vector<16xf32>
      %parallel_loop3A_380 = arith.constant 3.125000e-02 : f32
      %parallel_loop3A_381 = vector.broadcast %parallel_loop3A_380 : f32 to vector<16xf32>
      %parallel_loop3A_382 = arith.mulf %parallel_loop3A_379, %parallel_loop3A_381 : vector<16xf32>
      %parallel_loop3A_383 = arith.index_cast %parallel_loop3A_370 : i32 to index
      %parallel_loop3A_384 = arith.index_cast %parallel_loop3A_375 : i32 to index
      %parallel_loop3A_385 = tpu.vector_load %arg7[%parallel_loop3A_383, %parallel_loop3A_384] {strides = array<i32>} : memref<16x1024xf32, #tpu.memory_space<vmem>>, vector<1x16xf32>,
      %parallel_loop3A_386 = vector.shape_cast %parallel_loop3A_385 : vector<1x16xf32> to vector<16xf32>
      %parallel_loop3A_387 = vector.shape_cast %parallel_loop3A_382 : vector<16xf32> to vector<1x16xf32>
      tpu.vector_store %arg7[%parallel_loop3A_383, %parallel_loop3A_384], %parallel_loop3A_387 {strides = array<i32>} : memref<16x1024xf32, #tpu.memory_space<vmem>>, vector<1x16xf32>,
    } {sc.loop_unroll_factor = 8 : i64, sc.parallel_access}
    %add3A_118 = arith.constant 48 : i32
    %add3A_119 = arith.addi %mul3A_2, %add3A_118 : i32
    %dma_start3A_120 = arith.constant 0 : i32
    %dma_start3A_121 = tpu.memref_slice %arg3[%add3A_119, %dma_start3A_120] : memref<8192x1024xf32, #tpu.memory_space<hbm>> -> memref<16x1024xf32, #tpu.memory_space<hbm>>
    %dma_start3A_122 = arith.constant 0 : i32
    %dma_start3A_123 = tpu.memref_slice %arg3[%add3A_119, %dma_start3A_122] : memref<8192x1024xf32, #tpu.memory_space<hbm>> -> memref<16x1024xf32, #tpu.memory_space<hbm>>
    tpu.enqueue_dma source(%arg7 : memref<16x1024xf32, #tpu.memory_space<vmem>>) target(%dma_start3A_123 : memref<16x1024xf32, #tpu.memory_space<hbm>>) target_semaphore(%arg21 : memref<!tpu.dma_semaphore, #tpu.memory_space<semaphore_mem>>)
    %dma_wait3A_124 = arith.constant 0 : i32
    %dma_wait3A_125 = tpu.memref_slice %arg3[%add3A_119, %dma_wait3A_124] : memref<8192x1024xf32, #tpu.memory_space<hbm>> -> memref<16x1024xf32, #tpu.memory_space<hbm>>
    %dma_wait3A_126 = arith.constant 0 : i32
    %dma_wait3A_127 = tpu.memref_slice %arg3[%add3A_119, %dma_wait3A_126] : memref<8192x1024xf32, #tpu.memory_space<hbm>> -> memref<16x1024xf32, #tpu.memory_space<hbm>>
    tpu.wait_dma2 semaphore(%arg21 : memref<!tpu.dma_semaphore, #tpu.memory_space<semaphore_mem>>) src(%arg7 : memref<16x1024xf32, #tpu.memory_space<vmem>>) dst(%dma_wait3A_127 : memref<16x1024xf32, #tpu.memory_space<hbm>>)
    %add3A_128 = arith.constant 160 : i32
    %add3A_129 = arith.addi %mul3A_2, %add3A_128 : i32
    %dma_start3A_130 = arith.constant 0 : i32
    %dma_start3A_131 = tpu.memref_slice %arg2[%add3A_129, %dma_start3A_130] : memref<8192x1024xf32, #tpu.memory_space<hbm>> -> memref<16x1024xf32, #tpu.memory_space<hbm>>
    %dma_start3A_132 = arith.constant 0 : i32
    %dma_start3A_133 = tpu.memref_slice %arg2[%add3A_129, %dma_start3A_132] : memref<8192x1024xf32, #tpu.memory_space<hbm>> -> memref<16x1024xf32, #tpu.memory_space<hbm>>
    tpu.enqueue_dma source(%dma_start3A_133 : memref<16x1024xf32, #tpu.memory_space<hbm>>) target(%arg7 : memref<16x1024xf32, #tpu.memory_space<vmem>>) target_semaphore(%arg14 : memref<!tpu.dma_semaphore, #tpu.memory_space<semaphore_mem>>)
    %dma_wait3A_134 = arith.constant 0 : i32
    %dma_wait3A_135 = tpu.memref_slice %arg2[%add3A_27, %dma_wait3A_134] : memref<8192x1024xf32, #tpu.memory_space<hbm>> -> memref<16x1024xf32, #tpu.memory_space<hbm>>
    %dma_wait3A_136 = arith.constant 0 : i32
    %dma_wait3A_137 = tpu.memref_slice %arg2[%add3A_27, %dma_wait3A_136] : memref<8192x1024xf32, #tpu.memory_space<hbm>> -> memref<16x1024xf32, #tpu.memory_space<hbm>>
    tpu.wait_dma2 semaphore(%arg15 : memref<!tpu.dma_semaphore, #tpu.memory_space<semaphore_mem>>) src(%dma_wait3A_137 : memref<16x1024xf32, #tpu.memory_space<hbm>>) dst(%arg8 : memref<16x1024xf32, #tpu.memory_space<vmem>>)
    %parallel_loop3A_138 = arith.constant 0 : i32
    %parallel_loop3A_139 = arith.constant 1024 : i32
    %parallel_loop3A_140 = arith.constant 1 : i32
    scf.for %parallel_loop3A_368 = %parallel_loop3A_138 to %parallel_loop3A_139 step %parallel_loop3A_140  : i32 {
      %parallel_loop3A_369 = arith.constant 6 : i32
      %parallel_loop3A_370 = arith.shrui %parallel_loop3A_368, %parallel_loop3A_369 : i32
      %parallel_loop3A_371 = arith.constant 63 : i32
      %parallel_loop3A_372 = arith.andi %parallel_loop3A_368, %parallel_loop3A_371 : i32
      %parallel_loop3A_373 = arith.constant 4 : i32
      %parallel_loop3A_374 = arith.shli %parallel_loop3A_372, %parallel_loop3A_373 : i32
      %parallel_loop3A_375 = tpu.assume_multiple %parallel_loop3A_374, 16 : i32
      %parallel_loop3A_376 = arith.index_cast %parallel_loop3A_370 : i32 to index
      %parallel_loop3A_377 = arith.index_cast %parallel_loop3A_375 : i32 to index
      %parallel_loop3A_378 = tpu.vector_load %arg8[%parallel_loop3A_376, %parallel_loop3A_377] {strides = array<i32>} : memref<16x1024xf32, #tpu.memory_space<vmem>>, vector<1x16xf32>,
      %parallel_loop3A_379 = vector.shape_cast %parallel_loop3A_378 : vector<1x16xf32> to vector<16xf32>
      %parallel_loop3A_380 = arith.constant 3.125000e-02 : f32
      %parallel_loop3A_381 = vector.broadcast %parallel_loop3A_380 : f32 to vector<16xf32>
      %parallel_loop3A_382 = arith.mulf %parallel_loop3A_379, %parallel_loop3A_381 : vector<16xf32>
      %parallel_loop3A_383 = arith.index_cast %parallel_loop3A_370 : i32 to index
      %parallel_loop3A_384 = arith.index_cast %parallel_loop3A_375 : i32 to index
      %parallel_loop3A_385 = tpu.vector_load %arg8[%parallel_loop3A_383, %parallel_loop3A_384] {strides = array<i32>} : memref<16x1024xf32, #tpu.memory_space<vmem>>, vector<1x16xf32>,
      %parallel_loop3A_386 = vector.shape_cast %parallel_loop3A_385 : vector<1x16xf32> to vector<16xf32>
      %parallel_loop3A_387 = vector.shape_cast %parallel_loop3A_382 : vector<16xf32> to vector<1x16xf32>
      tpu.vector_store %arg8[%parallel_loop3A_383, %parallel_loop3A_384], %parallel_loop3A_387 {strides = array<i32>} : memref<16x1024xf32, #tpu.memory_space<vmem>>, vector<1x16xf32>,
    } {sc.loop_unroll_factor = 8 : i64, sc.parallel_access}
    %add3A_141 = arith.constant 64 : i32
    %add3A_142 = arith.addi %mul3A_2, %add3A_141 : i32
    %dma_start3A_143 = arith.constant 0 : i32
    %dma_start3A_144 = tpu.memref_slice %arg3[%add3A_142, %dma_start3A_143] : memref<8192x1024xf32, #tpu.memory_space<hbm>> -> memref<16x1024xf32, #tpu.memory_space<hbm>>
    %dma_start3A_145 = arith.constant 0 : i32
    %dma_start3A_146 = tpu.memref_slice %arg3[%add3A_142, %dma_start3A_145] : memref<8192x1024xf32, #tpu.memory_space<hbm>> -> memref<16x1024xf32, #tpu.memory_space<hbm>>
    tpu.enqueue_dma source(%arg8 : memref<16x1024xf32, #tpu.memory_space<vmem>>) target(%dma_start3A_146 : memref<16x1024xf32, #tpu.memory_space<hbm>>) target_semaphore(%arg22 : memref<!tpu.dma_semaphore, #tpu.memory_space<semaphore_mem>>)
    %dma_wait3A_147 = arith.constant 0 : i32
    %dma_wait3A_148 = tpu.memref_slice %arg3[%add3A_142, %dma_wait3A_147] : memref<8192x1024xf32, #tpu.memory_space<hbm>> -> memref<16x1024xf32, #tpu.memory_space<hbm>>
    %dma_wait3A_149 = arith.constant 0 : i32
    %dma_wait3A_150 = tpu.memref_slice %arg3[%add3A_142, %dma_wait3A_149] : memref<8192x1024xf32, #tpu.memory_space<hbm>> -> memref<16x1024xf32, #tpu.memory_space<hbm>>
    tpu.wait_dma2 semaphore(%arg22 : memref<!tpu.dma_semaphore, #tpu.memory_space<semaphore_mem>>) src(%arg8 : memref<16x1024xf32, #tpu.memory_space<vmem>>) dst(%dma_wait3A_150 : memref<16x1024xf32, #tpu.memory_space<hbm>>)
    %add3A_151 = arith.constant 176 : i32
    %add3A_152 = arith.addi %mul3A_2, %add3A_151 : i32
    %dma_start3A_153 = arith.constant 0 : i32
    %dma_start3A_154 = tpu.memref_slice %arg2[%add3A_152, %dma_start3A_153] : memref<8192x1024xf32, #tpu.memory_space<hbm>> -> memref<16x1024xf32, #tpu.memory_space<hbm>>
    %dma_start3A_155 = arith.constant 0 : i32
    %dma_start3A_156 = tpu.memref_slice %arg2[%add3A_152, %dma_start3A_155] : memref<8192x1024xf32, #tpu.memory_space<hbm>> -> memref<16x1024xf32, #tpu.memory_space<hbm>>
    tpu.enqueue_dma source(%dma_start3A_156 : memref<16x1024xf32, #tpu.memory_space<hbm>>) target(%arg8 : memref<16x1024xf32, #tpu.memory_space<vmem>>) target_semaphore(%arg15 : memref<!tpu.dma_semaphore, #tpu.memory_space<semaphore_mem>>)
    %dma_wait3A_157 = arith.constant 0 : i32
    %dma_wait3A_158 = tpu.memref_slice %arg2[%add3A_33, %dma_wait3A_157] : memref<8192x1024xf32, #tpu.memory_space<hbm>> -> memref<16x1024xf32, #tpu.memory_space<hbm>>
    %dma_wait3A_159 = arith.constant 0 : i32
    %dma_wait3A_160 = tpu.memref_slice %arg2[%add3A_33, %dma_wait3A_159] : memref<8192x1024xf32, #tpu.memory_space<hbm>> -> memref<16x1024xf32, #tpu.memory_space<hbm>>
    tpu.wait_dma2 semaphore(%arg16 : memref<!tpu.dma_semaphore, #tpu.memory_space<semaphore_mem>>) src(%dma_wait3A_160 : memref<16x1024xf32, #tpu.memory_space<hbm>>) dst(%arg9 : memref<16x1024xf32, #tpu.memory_space<vmem>>)
    %parallel_loop3A_161 = arith.constant 0 : i32
    %parallel_loop3A_162 = arith.constant 1024 : i32
    %parallel_loop3A_163 = arith.constant 1 : i32
    scf.for %parallel_loop3A_368 = %parallel_loop3A_161 to %parallel_loop3A_162 step %parallel_loop3A_163  : i32 {
      %parallel_loop3A_369 = arith.constant 6 : i32
      %parallel_loop3A_370 = arith.shrui %parallel_loop3A_368, %parallel_loop3A_369 : i32
      %parallel_loop3A_371 = arith.constant 63 : i32
      %parallel_loop3A_372 = arith.andi %parallel_loop3A_368, %parallel_loop3A_371 : i32
      %parallel_loop3A_373 = arith.constant 4 : i32
      %parallel_loop3A_374 = arith.shli %parallel_loop3A_372, %parallel_loop3A_373 : i32
      %parallel_loop3A_375 = tpu.assume_multiple %parallel_loop3A_374, 16 : i32
      %parallel_loop3A_376 = arith.index_cast %parallel_loop3A_370 : i32 to index
      %parallel_loop3A_377 = arith.index_cast %parallel_loop3A_375 : i32 to index
      %parallel_loop3A_378 = tpu.vector_load %arg9[%parallel_loop3A_376, %parallel_loop3A_377] {strides = array<i32>} : memref<16x1024xf32, #tpu.memory_space<vmem>>, vector<1x16xf32>,
      %parallel_loop3A_379 = vector.shape_cast %parallel_loop3A_378 : vector<1x16xf32> to vector<16xf32>
      %parallel_loop3A_380 = arith.constant 3.125000e-02 : f32
      %parallel_loop3A_381 = vector.broadcast %parallel_loop3A_380 : f32 to vector<16xf32>
      %parallel_loop3A_382 = arith.mulf %parallel_loop3A_379, %parallel_loop3A_381 : vector<16xf32>
      %parallel_loop3A_383 = arith.index_cast %parallel_loop3A_370 : i32 to index
      %parallel_loop3A_384 = arith.index_cast %parallel_loop3A_375 : i32 to index
      %parallel_loop3A_385 = tpu.vector_load %arg9[%parallel_loop3A_383, %parallel_loop3A_384] {strides = array<i32>} : memref<16x1024xf32, #tpu.memory_space<vmem>>, vector<1x16xf32>,
      %parallel_loop3A_386 = vector.shape_cast %parallel_loop3A_385 : vector<1x16xf32> to vector<16xf32>
      %parallel_loop3A_387 = vector.shape_cast %parallel_loop3A_382 : vector<16xf32> to vector<1x16xf32>
      tpu.vector_store %arg9[%parallel_loop3A_383, %parallel_loop3A_384], %parallel_loop3A_387 {strides = array<i32>} : memref<16x1024xf32, #tpu.memory_space<vmem>>, vector<1x16xf32>,
    } {sc.loop_unroll_factor = 8 : i64, sc.parallel_access}
    %add3A_164 = arith.constant 80 : i32
    %add3A_165 = arith.addi %mul3A_2, %add3A_164 : i32
    %dma_start3A_166 = arith.constant 0 : i32
    %dma_start3A_167 = tpu.memref_slice %arg3[%add3A_165, %dma_start3A_166] : memref<8192x1024xf32, #tpu.memory_space<hbm>> -> memref<16x1024xf32, #tpu.memory_space<hbm>>
    %dma_start3A_168 = arith.constant 0 : i32
    %dma_start3A_169 = tpu.memref_slice %arg3[%add3A_165, %dma_start3A_168] : memref<8192x1024xf32, #tpu.memory_space<hbm>> -> memref<16x1024xf32, #tpu.memory_space<hbm>>
    tpu.enqueue_dma source(%arg9 : memref<16x1024xf32, #tpu.memory_space<vmem>>) target(%dma_start3A_169 : memref<16x1024xf32, #tpu.memory_space<hbm>>) target_semaphore(%arg23 : memref<!tpu.dma_semaphore, #tpu.memory_space<semaphore_mem>>)
    %dma_wait3A_170 = arith.constant 0 : i32
    %dma_wait3A_171 = tpu.memref_slice %arg3[%add3A_165, %dma_wait3A_170] : memref<8192x1024xf32, #tpu.memory_space<hbm>> -> memref<16x1024xf32, #tpu.memory_space<hbm>>
    %dma_wait3A_172 = arith.constant 0 : i32
    %dma_wait3A_173 = tpu.memref_slice %arg3[%add3A_165, %dma_wait3A_172] : memref<8192x1024xf32, #tpu.memory_space<hbm>> -> memref<16x1024xf32, #tpu.memory_space<hbm>>
    tpu.wait_dma2 semaphore(%arg23 : memref<!tpu.dma_semaphore, #tpu.memory_space<semaphore_mem>>) src(%arg9 : memref<16x1024xf32, #tpu.memory_space<vmem>>) dst(%dma_wait3A_173 : memref<16x1024xf32, #tpu.memory_space<hbm>>)
    %add3A_174 = arith.constant 192 : i32
    %add3A_175 = arith.addi %mul3A_2, %add3A_174 : i32
    %dma_start3A_176 = arith.constant 0 : i32
    %dma_start3A_177 = tpu.memref_slice %arg2[%add3A_175, %dma_start3A_176] : memref<8192x1024xf32, #tpu.memory_space<hbm>> -> memref<16x1024xf32, #tpu.memory_space<hbm>>
    %dma_start3A_178 = arith.constant 0 : i32
    %dma_start3A_179 = tpu.memref_slice %arg2[%add3A_175, %dma_start3A_178] : memref<8192x1024xf32, #tpu.memory_space<hbm>> -> memref<16x1024xf32, #tpu.memory_space<hbm>>
    tpu.enqueue_dma source(%dma_start3A_179 : memref<16x1024xf32, #tpu.memory_space<hbm>>) target(%arg9 : memref<16x1024xf32, #tpu.memory_space<vmem>>) target_semaphore(%arg16 : memref<!tpu.dma_semaphore, #tpu.memory_space<semaphore_mem>>)
    %dma_wait3A_180 = arith.constant 0 : i32
    %dma_wait3A_181 = tpu.memref_slice %arg2[%add3A_39, %dma_wait3A_180] : memref<8192x1024xf32, #tpu.memory_space<hbm>> -> memref<16x1024xf32, #tpu.memory_space<hbm>>
    %dma_wait3A_182 = arith.constant 0 : i32
    %dma_wait3A_183 = tpu.memref_slice %arg2[%add3A_39, %dma_wait3A_182] : memref<8192x1024xf32, #tpu.memory_space<hbm>> -> memref<16x1024xf32, #tpu.memory_space<hbm>>
    tpu.wait_dma2 semaphore(%arg17 : memref<!tpu.dma_semaphore, #tpu.memory_space<semaphore_mem>>) src(%dma_wait3A_183 : memref<16x1024xf32, #tpu.memory_space<hbm>>) dst(%arg10 : memref<16x1024xf32, #tpu.memory_space<vmem>>)
    %parallel_loop3A_184 = arith.constant 0 : i32
    %parallel_loop3A_185 = arith.constant 1024 : i32
    %parallel_loop3A_186 = arith.constant 1 : i32
    scf.for %parallel_loop3A_368 = %parallel_loop3A_184 to %parallel_loop3A_185 step %parallel_loop3A_186  : i32 {
      %parallel_loop3A_369 = arith.constant 6 : i32
      %parallel_loop3A_370 = arith.shrui %parallel_loop3A_368, %parallel_loop3A_369 : i32
      %parallel_loop3A_371 = arith.constant 63 : i32
      %parallel_loop3A_372 = arith.andi %parallel_loop3A_368, %parallel_loop3A_371 : i32
      %parallel_loop3A_373 = arith.constant 4 : i32
      %parallel_loop3A_374 = arith.shli %parallel_loop3A_372, %parallel_loop3A_373 : i32
      %parallel_loop3A_375 = tpu.assume_multiple %parallel_loop3A_374, 16 : i32
      %parallel_loop3A_376 = arith.index_cast %parallel_loop3A_370 : i32 to index
      %parallel_loop3A_377 = arith.index_cast %parallel_loop3A_375 : i32 to index
      %parallel_loop3A_378 = tpu.vector_load %arg10[%parallel_loop3A_376, %parallel_loop3A_377] {strides = array<i32>} : memref<16x1024xf32, #tpu.memory_space<vmem>>, vector<1x16xf32>,
      %parallel_loop3A_379 = vector.shape_cast %parallel_loop3A_378 : vector<1x16xf32> to vector<16xf32>
      %parallel_loop3A_380 = arith.constant 3.125000e-02 : f32
      %parallel_loop3A_381 = vector.broadcast %parallel_loop3A_380 : f32 to vector<16xf32>
      %parallel_loop3A_382 = arith.mulf %parallel_loop3A_379, %parallel_loop3A_381 : vector<16xf32>
      %parallel_loop3A_383 = arith.index_cast %parallel_loop3A_370 : i32 to index
      %parallel_loop3A_384 = arith.index_cast %parallel_loop3A_375 : i32 to index
      %parallel_loop3A_385 = tpu.vector_load %arg10[%parallel_loop3A_383, %parallel_loop3A_384] {strides = array<i32>} : memref<16x1024xf32, #tpu.memory_space<vmem>>, vector<1x16xf32>,
      %parallel_loop3A_386 = vector.shape_cast %parallel_loop3A_385 : vector<1x16xf32> to vector<16xf32>
      %parallel_loop3A_387 = vector.shape_cast %parallel_loop3A_382 : vector<16xf32> to vector<1x16xf32>
      tpu.vector_store %arg10[%parallel_loop3A_383, %parallel_loop3A_384], %parallel_loop3A_387 {strides = array<i32>} : memref<16x1024xf32, #tpu.memory_space<vmem>>, vector<1x16xf32>,
    } {sc.loop_unroll_factor = 8 : i64, sc.parallel_access}
    %add3A_187 = arith.constant 96 : i32
    %add3A_188 = arith.addi %mul3A_2, %add3A_187 : i32
    %dma_start3A_189 = arith.constant 0 : i32
    %dma_start3A_190 = tpu.memref_slice %arg3[%add3A_188, %dma_start3A_189] : memref<8192x1024xf32, #tpu.memory_space<hbm>> -> memref<16x1024xf32, #tpu.memory_space<hbm>>
    %dma_start3A_191 = arith.constant 0 : i32
    %dma_start3A_192 = tpu.memref_slice %arg3[%add3A_188, %dma_start3A_191] : memref<8192x1024xf32, #tpu.memory_space<hbm>> -> memref<16x1024xf32, #tpu.memory_space<hbm>>
    tpu.enqueue_dma source(%arg10 : memref<16x1024xf32, #tpu.memory_space<vmem>>) target(%dma_start3A_192 : memref<16x1024xf32, #tpu.memory_space<hbm>>) target_semaphore(%arg24 : memref<!tpu.dma_semaphore, #tpu.memory_space<semaphore_mem>>)
    %dma_wait3A_193 = arith.constant 0 : i32
    %dma_wait3A_194 = tpu.memref_slice %arg3[%add3A_188, %dma_wait3A_193] : memref<8192x1024xf32, #tpu.memory_space<hbm>> -> memref<16x1024xf32, #tpu.memory_space<hbm>>
    %dma_wait3A_195 = arith.constant 0 : i32
    %dma_wait3A_196 = tpu.memref_slice %arg3[%add3A_188, %dma_wait3A_195] : memref<8192x1024xf32, #tpu.memory_space<hbm>> -> memref<16x1024xf32, #tpu.memory_space<hbm>>
    tpu.wait_dma2 semaphore(%arg24 : memref<!tpu.dma_semaphore, #tpu.memory_space<semaphore_mem>>) src(%arg10 : memref<16x1024xf32, #tpu.memory_space<vmem>>) dst(%dma_wait3A_196 : memref<16x1024xf32, #tpu.memory_space<hbm>>)
    %add3A_197 = arith.constant 208 : i32
    %add3A_198 = arith.addi %mul3A_2, %add3A_197 : i32
    %dma_start3A_199 = arith.constant 0 : i32
    %dma_start3A_200 = tpu.memref_slice %arg2[%add3A_198, %dma_start3A_199] : memref<8192x1024xf32, #tpu.memory_space<hbm>> -> memref<16x1024xf32, #tpu.memory_space<hbm>>
    %dma_start3A_201 = arith.constant 0 : i32
    %dma_start3A_202 = tpu.memref_slice %arg2[%add3A_198, %dma_start3A_201] : memref<8192x1024xf32, #tpu.memory_space<hbm>> -> memref<16x1024xf32, #tpu.memory_space<hbm>>
    tpu.enqueue_dma source(%dma_start3A_202 : memref<16x1024xf32, #tpu.memory_space<hbm>>) target(%arg10 : memref<16x1024xf32, #tpu.memory_space<vmem>>) target_semaphore(%arg17 : memref<!tpu.dma_semaphore, #tpu.memory_space<semaphore_mem>>)
    %dma_wait3A_203 = arith.constant 0 : i32
    %dma_wait3A_204 = tpu.memref_slice %arg2[%add3A_60, %dma_wait3A_203] : memref<8192x1024xf32, #tpu.memory_space<hbm>> -> memref<16x1024xf32, #tpu.memory_space<hbm>>
    %dma_wait3A_205 = arith.constant 0 : i32
    %dma_wait3A_206 = tpu.memref_slice %arg2[%add3A_60, %dma_wait3A_205] : memref<8192x1024xf32, #tpu.memory_space<hbm>> -> memref<16x1024xf32, #tpu.memory_space<hbm>>
    tpu.wait_dma2 semaphore(%arg11 : memref<!tpu.dma_semaphore, #tpu.memory_space<semaphore_mem>>) src(%dma_wait3A_206 : memref<16x1024xf32, #tpu.memory_space<hbm>>) dst(%arg4 : memref<16x1024xf32, #tpu.memory_space<vmem>>)
    %parallel_loop3A_207 = arith.constant 0 : i32
    %parallel_loop3A_208 = arith.constant 1024 : i32
    %parallel_loop3A_209 = arith.constant 1 : i32
    scf.for %parallel_loop3A_368 = %parallel_loop3A_207 to %parallel_loop3A_208 step %parallel_loop3A_209  : i32 {
      %parallel_loop3A_369 = arith.constant 6 : i32
      %parallel_loop3A_370 = arith.shrui %parallel_loop3A_368, %parallel_loop3A_369 : i32
      %parallel_loop3A_371 = arith.constant 63 : i32
      %parallel_loop3A_372 = arith.andi %parallel_loop3A_368, %parallel_loop3A_371 : i32
      %parallel_loop3A_373 = arith.constant 4 : i32
      %parallel_loop3A_374 = arith.shli %parallel_loop3A_372, %parallel_loop3A_373 : i32
      %parallel_loop3A_375 = tpu.assume_multiple %parallel_loop3A_374, 16 : i32
      %parallel_loop3A_376 = arith.index_cast %parallel_loop3A_370 : i32 to index
      %parallel_loop3A_377 = arith.index_cast %parallel_loop3A_375 : i32 to index
      %parallel_loop3A_378 = tpu.vector_load %arg4[%parallel_loop3A_376, %parallel_loop3A_377] {strides = array<i32>} : memref<16x1024xf32, #tpu.memory_space<vmem>>, vector<1x16xf32>,
      %parallel_loop3A_379 = vector.shape_cast %parallel_loop3A_378 : vector<1x16xf32> to vector<16xf32>
      %parallel_loop3A_380 = arith.constant 3.125000e-02 : f32
      %parallel_loop3A_381 = vector.broadcast %parallel_loop3A_380 : f32 to vector<16xf32>
      %parallel_loop3A_382 = arith.mulf %parallel_loop3A_379, %parallel_loop3A_381 : vector<16xf32>
      %parallel_loop3A_383 = arith.index_cast %parallel_loop3A_370 : i32 to index
      %parallel_loop3A_384 = arith.index_cast %parallel_loop3A_375 : i32 to index
      %parallel_loop3A_385 = tpu.vector_load %arg4[%parallel_loop3A_383, %parallel_loop3A_384] {strides = array<i32>} : memref<16x1024xf32, #tpu.memory_space<vmem>>, vector<1x16xf32>,
      %parallel_loop3A_386 = vector.shape_cast %parallel_loop3A_385 : vector<1x16xf32> to vector<16xf32>
      %parallel_loop3A_387 = vector.shape_cast %parallel_loop3A_382 : vector<16xf32> to vector<1x16xf32>
      tpu.vector_store %arg4[%parallel_loop3A_383, %parallel_loop3A_384], %parallel_loop3A_387 {strides = array<i32>} : memref<16x1024xf32, #tpu.memory_space<vmem>>, vector<1x16xf32>,
    } {sc.loop_unroll_factor = 8 : i64, sc.parallel_access}
    %add3A_210 = arith.constant 112 : i32
    %add3A_211 = arith.addi %mul3A_2, %add3A_210 : i32
    %dma_start3A_212 = arith.constant 0 : i32
    %dma_start3A_213 = tpu.memref_slice %arg3[%add3A_211, %dma_start3A_212] : memref<8192x1024xf32, #tpu.memory_space<hbm>> -> memref<16x1024xf32, #tpu.memory_space<hbm>>
    %dma_start3A_214 = arith.constant 0 : i32
    %dma_start3A_215 = tpu.memref_slice %arg3[%add3A_211, %dma_start3A_214] : memref<8192x1024xf32, #tpu.memory_space<hbm>> -> memref<16x1024xf32, #tpu.memory_space<hbm>>
    tpu.enqueue_dma source(%arg4 : memref<16x1024xf32, #tpu.memory_space<vmem>>) target(%dma_start3A_215 : memref<16x1024xf32, #tpu.memory_space<hbm>>) target_semaphore(%arg18 : memref<!tpu.dma_semaphore, #tpu.memory_space<semaphore_mem>>)
    %dma_wait3A_216 = arith.constant 0 : i32
    %dma_wait3A_217 = tpu.memref_slice %arg3[%add3A_211, %dma_wait3A_216] : memref<8192x1024xf32, #tpu.memory_space<hbm>> -> memref<16x1024xf32, #tpu.memory_space<hbm>>
    %dma_wait3A_218 = arith.constant 0 : i32
    %dma_wait3A_219 = tpu.memref_slice %arg3[%add3A_211, %dma_wait3A_218] : memref<8192x1024xf32, #tpu.memory_space<hbm>> -> memref<16x1024xf32, #tpu.memory_space<hbm>>
    tpu.wait_dma2 semaphore(%arg18 : memref<!tpu.dma_semaphore, #tpu.memory_space<semaphore_mem>>) src(%arg4 : memref<16x1024xf32, #tpu.memory_space<vmem>>) dst(%dma_wait3A_219 : memref<16x1024xf32, #tpu.memory_space<hbm>>)
    %add3A_220 = arith.constant 224 : i32
    %add3A_221 = arith.addi %mul3A_2, %add3A_220 : i32
    %dma_start3A_222 = arith.constant 0 : i32
    %dma_start3A_223 = tpu.memref_slice %arg2[%add3A_221, %dma_start3A_222] : memref<8192x1024xf32, #tpu.memory_space<hbm>> -> memref<16x1024xf32, #tpu.memory_space<hbm>>
    %dma_start3A_224 = arith.constant 0 : i32
    %dma_start3A_225 = tpu.memref_slice %arg2[%add3A_221, %dma_start3A_224] : memref<8192x1024xf32, #tpu.memory_space<hbm>> -> memref<16x1024xf32, #tpu.memory_space<hbm>>
    tpu.enqueue_dma source(%dma_start3A_225 : memref<16x1024xf32, #tpu.memory_space<hbm>>) target(%arg4 : memref<16x1024xf32, #tpu.memory_space<vmem>>) target_semaphore(%arg11 : memref<!tpu.dma_semaphore, #tpu.memory_space<semaphore_mem>>)
    %dma_wait3A_226 = arith.constant 0 : i32
    %dma_wait3A_227 = tpu.memref_slice %arg2[%add3A_83, %dma_wait3A_226] : memref<8192x1024xf32, #tpu.memory_space<hbm>> -> memref<16x1024xf32, #tpu.memory_space<hbm>>
    %dma_wait3A_228 = arith.constant 0 : i32
    %dma_wait3A_229 = tpu.memref_slice %arg2[%add3A_83, %dma_wait3A_228] : memref<8192x1024xf32, #tpu.memory_space<hbm>> -> memref<16x1024xf32, #tpu.memory_space<hbm>>
    tpu.wait_dma2 semaphore(%arg12 : memref<!tpu.dma_semaphore, #tpu.memory_space<semaphore_mem>>) src(%dma_wait3A_229 : memref<16x1024xf32, #tpu.memory_space<hbm>>) dst(%arg5 : memref<16x1024xf32, #tpu.memory_space<vmem>>)
    %parallel_loop3A_230 = arith.constant 0 : i32
    %parallel_loop3A_231 = arith.constant 1024 : i32
    %parallel_loop3A_232 = arith.constant 1 : i32
    scf.for %parallel_loop3A_368 = %parallel_loop3A_230 to %parallel_loop3A_231 step %parallel_loop3A_232  : i32 {
      %parallel_loop3A_369 = arith.constant 6 : i32
      %parallel_loop3A_370 = arith.shrui %parallel_loop3A_368, %parallel_loop3A_369 : i32
      %parallel_loop3A_371 = arith.constant 63 : i32
      %parallel_loop3A_372 = arith.andi %parallel_loop3A_368, %parallel_loop3A_371 : i32
      %parallel_loop3A_373 = arith.constant 4 : i32
      %parallel_loop3A_374 = arith.shli %parallel_loop3A_372, %parallel_loop3A_373 : i32
      %parallel_loop3A_375 = tpu.assume_multiple %parallel_loop3A_374, 16 : i32
      %parallel_loop3A_376 = arith.index_cast %parallel_loop3A_370 : i32 to index
      %parallel_loop3A_377 = arith.index_cast %parallel_loop3A_375 : i32 to index
      %parallel_loop3A_378 = tpu.vector_load %arg5[%parallel_loop3A_376, %parallel_loop3A_377] {strides = array<i32>} : memref<16x1024xf32, #tpu.memory_space<vmem>>, vector<1x16xf32>,
      %parallel_loop3A_379 = vector.shape_cast %parallel_loop3A_378 : vector<1x16xf32> to vector<16xf32>
      %parallel_loop3A_380 = arith.constant 3.125000e-02 : f32
      %parallel_loop3A_381 = vector.broadcast %parallel_loop3A_380 : f32 to vector<16xf32>
      %parallel_loop3A_382 = arith.mulf %parallel_loop3A_379, %parallel_loop3A_381 : vector<16xf32>
      %parallel_loop3A_383 = arith.index_cast %parallel_loop3A_370 : i32 to index
      %parallel_loop3A_384 = arith.index_cast %parallel_loop3A_375 : i32 to index
      %parallel_loop3A_385 = tpu.vector_load %arg5[%parallel_loop3A_383, %parallel_loop3A_384] {strides = array<i32>} : memref<16x1024xf32, #tpu.memory_space<vmem>>, vector<1x16xf32>,
      %parallel_loop3A_386 = vector.shape_cast %parallel_loop3A_385 : vector<1x16xf32> to vector<16xf32>
      %parallel_loop3A_387 = vector.shape_cast %parallel_loop3A_382 : vector<16xf32> to vector<1x16xf32>
      tpu.vector_store %arg5[%parallel_loop3A_383, %parallel_loop3A_384], %parallel_loop3A_387 {strides = array<i32>} : memref<16x1024xf32, #tpu.memory_space<vmem>>, vector<1x16xf32>,
    } {sc.loop_unroll_factor = 8 : i64, sc.parallel_access}
    %add3A_233 = arith.constant 128 : i32
    %add3A_234 = arith.addi %mul3A_2, %add3A_233 : i32
    %dma_start3A_235 = arith.constant 0 : i32
    %dma_start3A_236 = tpu.memref_slice %arg3[%add3A_234, %dma_start3A_235] : memref<8192x1024xf32, #tpu.memory_space<hbm>> -> memref<16x1024xf32, #tpu.memory_space<hbm>>
    %dma_start3A_237 = arith.constant 0 : i32
    %dma_start3A_238 = tpu.memref_slice %arg3[%add3A_234, %dma_start3A_237] : memref<8192x1024xf32, #tpu.memory_space<hbm>> -> memref<16x1024xf32, #tpu.memory_space<hbm>>
    tpu.enqueue_dma source(%arg5 : memref<16x1024xf32, #tpu.memory_space<vmem>>) target(%dma_start3A_238 : memref<16x1024xf32, #tpu.memory_space<hbm>>) target_semaphore(%arg19 : memref<!tpu.dma_semaphore, #tpu.memory_space<semaphore_mem>>)
    %dma_wait3A_239 = arith.constant 0 : i32
    %dma_wait3A_240 = tpu.memref_slice %arg3[%add3A_234, %dma_wait3A_239] : memref<8192x1024xf32, #tpu.memory_space<hbm>> -> memref<16x1024xf32, #tpu.memory_space<hbm>>
    %dma_wait3A_241 = arith.constant 0 : i32
    %dma_wait3A_242 = tpu.memref_slice %arg3[%add3A_234, %dma_wait3A_241] : memref<8192x1024xf32, #tpu.memory_space<hbm>> -> memref<16x1024xf32, #tpu.memory_space<hbm>>
    tpu.wait_dma2 semaphore(%arg19 : memref<!tpu.dma_semaphore, #tpu.memory_space<semaphore_mem>>) src(%arg5 : memref<16x1024xf32, #tpu.memory_space<vmem>>) dst(%dma_wait3A_242 : memref<16x1024xf32, #tpu.memory_space<hbm>>)
    %add3A_243 = arith.constant 240 : i32
    %add3A_244 = arith.addi %mul3A_2, %add3A_243 : i32
    %dma_start3A_245 = arith.constant 0 : i32
    %dma_start3A_246 = tpu.memref_slice %arg2[%add3A_244, %dma_start3A_245] : memref<8192x1024xf32, #tpu.memory_space<hbm>> -> memref<16x1024xf32, #tpu.memory_space<hbm>>
    %dma_start3A_247 = arith.constant 0 : i32
    %dma_start3A_248 = tpu.memref_slice %arg2[%add3A_244, %dma_start3A_247] : memref<8192x1024xf32, #tpu.memory_space<hbm>> -> memref<16x1024xf32, #tpu.memory_space<hbm>>
    tpu.enqueue_dma source(%dma_start3A_248 : memref<16x1024xf32, #tpu.memory_space<hbm>>) target(%arg5 : memref<16x1024xf32, #tpu.memory_space<vmem>>) target_semaphore(%arg12 : memref<!tpu.dma_semaphore, #tpu.memory_space<semaphore_mem>>)
    %dma_wait3A_249 = arith.constant 0 : i32
    %dma_wait3A_250 = tpu.memref_slice %arg2[%add3A_106, %dma_wait3A_249] : memref<8192x1024xf32, #tpu.memory_space<hbm>> -> memref<16x1024xf32, #tpu.memory_space<hbm>>
    %dma_wait3A_251 = arith.constant 0 : i32
    %dma_wait3A_252 = tpu.memref_slice %arg2[%add3A_106, %dma_wait3A_251] : memref<8192x1024xf32, #tpu.memory_space<hbm>> -> memref<16x1024xf32, #tpu.memory_space<hbm>>
    tpu.wait_dma2 semaphore(%arg13 : memref<!tpu.dma_semaphore, #tpu.memory_space<semaphore_mem>>) src(%dma_wait3A_252 : memref<16x1024xf32, #tpu.memory_space<hbm>>) dst(%arg6 : memref<16x1024xf32, #tpu.memory_space<vmem>>)
    %parallel_loop3A_253 = arith.constant 0 : i32
    %parallel_loop3A_254 = arith.constant 1024 : i32
    %parallel_loop3A_255 = arith.constant 1 : i32
    scf.for %parallel_loop3A_368 = %parallel_loop3A_253 to %parallel_loop3A_254 step %parallel_loop3A_255  : i32 {
      %parallel_loop3A_369 = arith.constant 6 : i32
      %parallel_loop3A_370 = arith.shrui %parallel_loop3A_368, %parallel_loop3A_369 : i32
      %parallel_loop3A_371 = arith.constant 63 : i32
      %parallel_loop3A_372 = arith.andi %parallel_loop3A_368, %parallel_loop3A_371 : i32
      %parallel_loop3A_373 = arith.constant 4 : i32
      %parallel_loop3A_374 = arith.shli %parallel_loop3A_372, %parallel_loop3A_373 : i32
      %parallel_loop3A_375 = tpu.assume_multiple %parallel_loop3A_374, 16 : i32
      %parallel_loop3A_376 = arith.index_cast %parallel_loop3A_370 : i32 to index
      %parallel_loop3A_377 = arith.index_cast %parallel_loop3A_375 : i32 to index
      %parallel_loop3A_378 = tpu.vector_load %arg6[%parallel_loop3A_376, %parallel_loop3A_377] {strides = array<i32>} : memref<16x1024xf32, #tpu.memory_space<vmem>>, vector<1x16xf32>,
      %parallel_loop3A_379 = vector.shape_cast %parallel_loop3A_378 : vector<1x16xf32> to vector<16xf32>
      %parallel_loop3A_380 = arith.constant 3.125000e-02 : f32
      %parallel_loop3A_381 = vector.broadcast %parallel_loop3A_380 : f32 to vector<16xf32>
      %parallel_loop3A_382 = arith.mulf %parallel_loop3A_379, %parallel_loop3A_381 : vector<16xf32>
      %parallel_loop3A_383 = arith.index_cast %parallel_loop3A_370 : i32 to index
      %parallel_loop3A_384 = arith.index_cast %parallel_loop3A_375 : i32 to index
      %parallel_loop3A_385 = tpu.vector_load %arg6[%parallel_loop3A_383, %parallel_loop3A_384] {strides = array<i32>} : memref<16x1024xf32, #tpu.memory_space<vmem>>, vector<1x16xf32>,
      %parallel_loop3A_386 = vector.shape_cast %parallel_loop3A_385 : vector<1x16xf32> to vector<16xf32>
      %parallel_loop3A_387 = vector.shape_cast %parallel_loop3A_382 : vector<16xf32> to vector<1x16xf32>
      tpu.vector_store %arg6[%parallel_loop3A_383, %parallel_loop3A_384], %parallel_loop3A_387 {strides = array<i32>} : memref<16x1024xf32, #tpu.memory_space<vmem>>, vector<1x16xf32>,
    } {sc.loop_unroll_factor = 8 : i64, sc.parallel_access}
    %add3A_256 = arith.constant 144 : i32
    %add3A_257 = arith.addi %mul3A_2, %add3A_256 : i32
    %dma_start3A_258 = arith.constant 0 : i32
    %dma_start3A_259 = tpu.memref_slice %arg3[%add3A_257, %dma_start3A_258] : memref<8192x1024xf32, #tpu.memory_space<hbm>> -> memref<16x1024xf32, #tpu.memory_space<hbm>>
    %dma_start3A_260 = arith.constant 0 : i32
    %dma_start3A_261 = tpu.memref_slice %arg3[%add3A_257, %dma_start3A_260] : memref<8192x1024xf32, #tpu.memory_space<hbm>> -> memref<16x1024xf32, #tpu.memory_space<hbm>>
    tpu.enqueue_dma source(%arg6 : memref<16x1024xf32, #tpu.memory_space<vmem>>) target(%dma_start3A_261 : memref<16x1024xf32, #tpu.memory_space<hbm>>) target_semaphore(%arg20 : memref<!tpu.dma_semaphore, #tpu.memory_space<semaphore_mem>>)
    %dma_wait3A_262 = arith.constant 0 : i32
    %dma_wait3A_263 = tpu.memref_slice %arg2[%add3A_129, %dma_wait3A_262] : memref<8192x1024xf32, #tpu.memory_space<hbm>> -> memref<16x1024xf32, #tpu.memory_space<hbm>>
    %dma_wait3A_264 = arith.constant 0 : i32
    %dma_wait3A_265 = tpu.memref_slice %arg2[%add3A_129, %dma_wait3A_264] : memref<8192x1024xf32, #tpu.memory_space<hbm>> -> memref<16x1024xf32, #tpu.memory_space<hbm>>
    tpu.wait_dma2 semaphore(%arg14 : memref<!tpu.dma_semaphore, #tpu.memory_space<semaphore_mem>>) src(%dma_wait3A_265 : memref<16x1024xf32, #tpu.memory_space<hbm>>) dst(%arg7 : memref<16x1024xf32, #tpu.memory_space<vmem>>)
    %parallel_loop3A_266 = arith.constant 0 : i32
    %parallel_loop3A_267 = arith.constant 1024 : i32
    %parallel_loop3A_268 = arith.constant 1 : i32
    scf.for %parallel_loop3A_368 = %parallel_loop3A_266 to %parallel_loop3A_267 step %parallel_loop3A_268  : i32 {
      %parallel_loop3A_369 = arith.constant 6 : i32
      %parallel_loop3A_370 = arith.shrui %parallel_loop3A_368, %parallel_loop3A_369 : i32
      %parallel_loop3A_371 = arith.constant 63 : i32
      %parallel_loop3A_372 = arith.andi %parallel_loop3A_368, %parallel_loop3A_371 : i32
      %parallel_loop3A_373 = arith.constant 4 : i32
      %parallel_loop3A_374 = arith.shli %parallel_loop3A_372, %parallel_loop3A_373 : i32
      %parallel_loop3A_375 = tpu.assume_multiple %parallel_loop3A_374, 16 : i32
      %parallel_loop3A_376 = arith.index_cast %parallel_loop3A_370 : i32 to index
      %parallel_loop3A_377 = arith.index_cast %parallel_loop3A_375 : i32 to index
      %parallel_loop3A_378 = tpu.vector_load %arg7[%parallel_loop3A_376, %parallel_loop3A_377] {strides = array<i32>} : memref<16x1024xf32, #tpu.memory_space<vmem>>, vector<1x16xf32>,
      %parallel_loop3A_379 = vector.shape_cast %parallel_loop3A_378 : vector<1x16xf32> to vector<16xf32>
      %parallel_loop3A_380 = arith.constant 3.125000e-02 : f32
      %parallel_loop3A_381 = vector.broadcast %parallel_loop3A_380 : f32 to vector<16xf32>
      %parallel_loop3A_382 = arith.mulf %parallel_loop3A_379, %parallel_loop3A_381 : vector<16xf32>
      %parallel_loop3A_383 = arith.index_cast %parallel_loop3A_370 : i32 to index
      %parallel_loop3A_384 = arith.index_cast %parallel_loop3A_375 : i32 to index
      %parallel_loop3A_385 = tpu.vector_load %arg7[%parallel_loop3A_383, %parallel_loop3A_384] {strides = array<i32>} : memref<16x1024xf32, #tpu.memory_space<vmem>>, vector<1x16xf32>,
      %parallel_loop3A_386 = vector.shape_cast %parallel_loop3A_385 : vector<1x16xf32> to vector<16xf32>
      %parallel_loop3A_387 = vector.shape_cast %parallel_loop3A_382 : vector<16xf32> to vector<1x16xf32>
      tpu.vector_store %arg7[%parallel_loop3A_383, %parallel_loop3A_384], %parallel_loop3A_387 {strides = array<i32>} : memref<16x1024xf32, #tpu.memory_space<vmem>>, vector<1x16xf32>,
    } {sc.loop_unroll_factor = 8 : i64, sc.parallel_access}
    %add3A_269 = arith.constant 160 : i32
    %add3A_270 = arith.addi %mul3A_2, %add3A_269 : i32
    %dma_start3A_271 = arith.constant 0 : i32
    %dma_start3A_272 = tpu.memref_slice %arg3[%add3A_270, %dma_start3A_271] : memref<8192x1024xf32, #tpu.memory_space<hbm>> -> memref<16x1024xf32, #tpu.memory_space<hbm>>
    %dma_start3A_273 = arith.constant 0 : i32
    %dma_start3A_274 = tpu.memref_slice %arg3[%add3A_270, %dma_start3A_273] : memref<8192x1024xf32, #tpu.memory_space<hbm>> -> memref<16x1024xf32, #tpu.memory_space<hbm>>
    tpu.enqueue_dma source(%arg7 : memref<16x1024xf32, #tpu.memory_space<vmem>>) target(%dma_start3A_274 : memref<16x1024xf32, #tpu.memory_space<hbm>>) target_semaphore(%arg21 : memref<!tpu.dma_semaphore, #tpu.memory_space<semaphore_mem>>)
    %dma_wait3A_275 = arith.constant 0 : i32
    %dma_wait3A_276 = tpu.memref_slice %arg2[%add3A_152, %dma_wait3A_275] : memref<8192x1024xf32, #tpu.memory_space<hbm>> -> memref<16x1024xf32, #tpu.memory_space<hbm>>
    %dma_wait3A_277 = arith.constant 0 : i32
    %dma_wait3A_278 = tpu.memref_slice %arg2[%add3A_152, %dma_wait3A_277] : memref<8192x1024xf32, #tpu.memory_space<hbm>> -> memref<16x1024xf32, #tpu.memory_space<hbm>>
    tpu.wait_dma2 semaphore(%arg15 : memref<!tpu.dma_semaphore, #tpu.memory_space<semaphore_mem>>) src(%dma_wait3A_278 : memref<16x1024xf32, #tpu.memory_space<hbm>>) dst(%arg8 : memref<16x1024xf32, #tpu.memory_space<vmem>>)
    %parallel_loop3A_279 = arith.constant 0 : i32
    %parallel_loop3A_280 = arith.constant 1024 : i32
    %parallel_loop3A_281 = arith.constant 1 : i32
    scf.for %parallel_loop3A_368 = %parallel_loop3A_279 to %parallel_loop3A_280 step %parallel_loop3A_281  : i32 {
      %parallel_loop3A_369 = arith.constant 6 : i32
      %parallel_loop3A_370 = arith.shrui %parallel_loop3A_368, %parallel_loop3A_369 : i32
      %parallel_loop3A_371 = arith.constant 63 : i32
      %parallel_loop3A_372 = arith.andi %parallel_loop3A_368, %parallel_loop3A_371 : i32
      %parallel_loop3A_373 = arith.constant 4 : i32
      %parallel_loop3A_374 = arith.shli %parallel_loop3A_372, %parallel_loop3A_373 : i32
      %parallel_loop3A_375 = tpu.assume_multiple %parallel_loop3A_374, 16 : i32
      %parallel_loop3A_376 = arith.index_cast %parallel_loop3A_370 : i32 to index
      %parallel_loop3A_377 = arith.index_cast %parallel_loop3A_375 : i32 to index
      %parallel_loop3A_378 = tpu.vector_load %arg8[%parallel_loop3A_376, %parallel_loop3A_377] {strides = array<i32>} : memref<16x1024xf32, #tpu.memory_space<vmem>>, vector<1x16xf32>,
      %parallel_loop3A_379 = vector.shape_cast %parallel_loop3A_378 : vector<1x16xf32> to vector<16xf32>
      %parallel_loop3A_380 = arith.constant 3.125000e-02 : f32
      %parallel_loop3A_381 = vector.broadcast %parallel_loop3A_380 : f32 to vector<16xf32>
      %parallel_loop3A_382 = arith.mulf %parallel_loop3A_379, %parallel_loop3A_381 : vector<16xf32>
      %parallel_loop3A_383 = arith.index_cast %parallel_loop3A_370 : i32 to index
      %parallel_loop3A_384 = arith.index_cast %parallel_loop3A_375 : i32 to index
      %parallel_loop3A_385 = tpu.vector_load %arg8[%parallel_loop3A_383, %parallel_loop3A_384] {strides = array<i32>} : memref<16x1024xf32, #tpu.memory_space<vmem>>, vector<1x16xf32>,
      %parallel_loop3A_386 = vector.shape_cast %parallel_loop3A_385 : vector<1x16xf32> to vector<16xf32>
      %parallel_loop3A_387 = vector.shape_cast %parallel_loop3A_382 : vector<16xf32> to vector<1x16xf32>
      tpu.vector_store %arg8[%parallel_loop3A_383, %parallel_loop3A_384], %parallel_loop3A_387 {strides = array<i32>} : memref<16x1024xf32, #tpu.memory_space<vmem>>, vector<1x16xf32>,
    } {sc.loop_unroll_factor = 8 : i64, sc.parallel_access}
    %add3A_282 = arith.constant 176 : i32
    %add3A_283 = arith.addi %mul3A_2, %add3A_282 : i32
    %dma_start3A_284 = arith.constant 0 : i32
    %dma_start3A_285 = tpu.memref_slice %arg3[%add3A_283, %dma_start3A_284] : memref<8192x1024xf32, #tpu.memory_space<hbm>> -> memref<16x1024xf32, #tpu.memory_space<hbm>>
    %dma_start3A_286 = arith.constant 0 : i32
    %dma_start3A_287 = tpu.memref_slice %arg3[%add3A_283, %dma_start3A_286] : memref<8192x1024xf32, #tpu.memory_space<hbm>> -> memref<16x1024xf32, #tpu.memory_space<hbm>>
    tpu.enqueue_dma source(%arg8 : memref<16x1024xf32, #tpu.memory_space<vmem>>) target(%dma_start3A_287 : memref<16x1024xf32, #tpu.memory_space<hbm>>) target_semaphore(%arg22 : memref<!tpu.dma_semaphore, #tpu.memory_space<semaphore_mem>>)
    %dma_wait3A_288 = arith.constant 0 : i32
    %dma_wait3A_289 = tpu.memref_slice %arg2[%add3A_175, %dma_wait3A_288] : memref<8192x1024xf32, #tpu.memory_space<hbm>> -> memref<16x1024xf32, #tpu.memory_space<hbm>>
    %dma_wait3A_290 = arith.constant 0 : i32
    %dma_wait3A_291 = tpu.memref_slice %arg2[%add3A_175, %dma_wait3A_290] : memref<8192x1024xf32, #tpu.memory_space<hbm>> -> memref<16x1024xf32, #tpu.memory_space<hbm>>
    tpu.wait_dma2 semaphore(%arg16 : memref<!tpu.dma_semaphore, #tpu.memory_space<semaphore_mem>>) src(%dma_wait3A_291 : memref<16x1024xf32, #tpu.memory_space<hbm>>) dst(%arg9 : memref<16x1024xf32, #tpu.memory_space<vmem>>)
    %parallel_loop3A_292 = arith.constant 0 : i32
    %parallel_loop3A_293 = arith.constant 1024 : i32
    %parallel_loop3A_294 = arith.constant 1 : i32
    scf.for %parallel_loop3A_368 = %parallel_loop3A_292 to %parallel_loop3A_293 step %parallel_loop3A_294  : i32 {
      %parallel_loop3A_369 = arith.constant 6 : i32
      %parallel_loop3A_370 = arith.shrui %parallel_loop3A_368, %parallel_loop3A_369 : i32
      %parallel_loop3A_371 = arith.constant 63 : i32
      %parallel_loop3A_372 = arith.andi %parallel_loop3A_368, %parallel_loop3A_371 : i32
      %parallel_loop3A_373 = arith.constant 4 : i32
      %parallel_loop3A_374 = arith.shli %parallel_loop3A_372, %parallel_loop3A_373 : i32
      %parallel_loop3A_375 = tpu.assume_multiple %parallel_loop3A_374, 16 : i32
      %parallel_loop3A_376 = arith.index_cast %parallel_loop3A_370 : i32 to index
      %parallel_loop3A_377 = arith.index_cast %parallel_loop3A_375 : i32 to index
      %parallel_loop3A_378 = tpu.vector_load %arg9[%parallel_loop3A_376, %parallel_loop3A_377] {strides = array<i32>} : memref<16x1024xf32, #tpu.memory_space<vmem>>, vector<1x16xf32>,
      %parallel_loop3A_379 = vector.shape_cast %parallel_loop3A_378 : vector<1x16xf32> to vector<16xf32>
      %parallel_loop3A_380 = arith.constant 3.125000e-02 : f32
      %parallel_loop3A_381 = vector.broadcast %parallel_loop3A_380 : f32 to vector<16xf32>
      %parallel_loop3A_382 = arith.mulf %parallel_loop3A_379, %parallel_loop3A_381 : vector<16xf32>
      %parallel_loop3A_383 = arith.index_cast %parallel_loop3A_370 : i32 to index
      %parallel_loop3A_384 = arith.index_cast %parallel_loop3A_375 : i32 to index
      %parallel_loop3A_385 = tpu.vector_load %arg9[%parallel_loop3A_383, %parallel_loop3A_384] {strides = array<i32>} : memref<16x1024xf32, #tpu.memory_space<vmem>>, vector<1x16xf32>,
      %parallel_loop3A_386 = vector.shape_cast %parallel_loop3A_385 : vector<1x16xf32> to vector<16xf32>
      %parallel_loop3A_387 = vector.shape_cast %parallel_loop3A_382 : vector<16xf32> to vector<1x16xf32>
      tpu.vector_store %arg9[%parallel_loop3A_383, %parallel_loop3A_384], %parallel_loop3A_387 {strides = array<i32>} : memref<16x1024xf32, #tpu.memory_space<vmem>>, vector<1x16xf32>,
    } {sc.loop_unroll_factor = 8 : i64, sc.parallel_access}
    %add3A_295 = arith.constant 192 : i32
    %add3A_296 = arith.addi %mul3A_2, %add3A_295 : i32
    %dma_start3A_297 = arith.constant 0 : i32
    %dma_start3A_298 = tpu.memref_slice %arg3[%add3A_296, %dma_start3A_297] : memref<8192x1024xf32, #tpu.memory_space<hbm>> -> memref<16x1024xf32, #tpu.memory_space<hbm>>
    %dma_start3A_299 = arith.constant 0 : i32
    %dma_start3A_300 = tpu.memref_slice %arg3[%add3A_296, %dma_start3A_299] : memref<8192x1024xf32, #tpu.memory_space<hbm>> -> memref<16x1024xf32, #tpu.memory_space<hbm>>
    tpu.enqueue_dma source(%arg9 : memref<16x1024xf32, #tpu.memory_space<vmem>>) target(%dma_start3A_300 : memref<16x1024xf32, #tpu.memory_space<hbm>>) target_semaphore(%arg23 : memref<!tpu.dma_semaphore, #tpu.memory_space<semaphore_mem>>)
    %dma_wait3A_301 = arith.constant 0 : i32
    %dma_wait3A_302 = tpu.memref_slice %arg2[%add3A_198, %dma_wait3A_301] : memref<8192x1024xf32, #tpu.memory_space<hbm>> -> memref<16x1024xf32, #tpu.memory_space<hbm>>
    %dma_wait3A_303 = arith.constant 0 : i32
    %dma_wait3A_304 = tpu.memref_slice %arg2[%add3A_198, %dma_wait3A_303] : memref<8192x1024xf32, #tpu.memory_space<hbm>> -> memref<16x1024xf32, #tpu.memory_space<hbm>>
    tpu.wait_dma2 semaphore(%arg17 : memref<!tpu.dma_semaphore, #tpu.memory_space<semaphore_mem>>) src(%dma_wait3A_304 : memref<16x1024xf32, #tpu.memory_space<hbm>>) dst(%arg10 : memref<16x1024xf32, #tpu.memory_space<vmem>>)
    %parallel_loop3A_305 = arith.constant 0 : i32
    %parallel_loop3A_306 = arith.constant 1024 : i32
    %parallel_loop3A_307 = arith.constant 1 : i32
    scf.for %parallel_loop3A_368 = %parallel_loop3A_305 to %parallel_loop3A_306 step %parallel_loop3A_307  : i32 {
      %parallel_loop3A_369 = arith.constant 6 : i32
      %parallel_loop3A_370 = arith.shrui %parallel_loop3A_368, %parallel_loop3A_369 : i32
      %parallel_loop3A_371 = arith.constant 63 : i32
      %parallel_loop3A_372 = arith.andi %parallel_loop3A_368, %parallel_loop3A_371 : i32
      %parallel_loop3A_373 = arith.constant 4 : i32
      %parallel_loop3A_374 = arith.shli %parallel_loop3A_372, %parallel_loop3A_373 : i32
      %parallel_loop3A_375 = tpu.assume_multiple %parallel_loop3A_374, 16 : i32
      %parallel_loop3A_376 = arith.index_cast %parallel_loop3A_370 : i32 to index
      %parallel_loop3A_377 = arith.index_cast %parallel_loop3A_375 : i32 to index
      %parallel_loop3A_378 = tpu.vector_load %arg10[%parallel_loop3A_376, %parallel_loop3A_377] {strides = array<i32>} : memref<16x1024xf32, #tpu.memory_space<vmem>>, vector<1x16xf32>,
      %parallel_loop3A_379 = vector.shape_cast %parallel_loop3A_378 : vector<1x16xf32> to vector<16xf32>
      %parallel_loop3A_380 = arith.constant 3.125000e-02 : f32
      %parallel_loop3A_381 = vector.broadcast %parallel_loop3A_380 : f32 to vector<16xf32>
      %parallel_loop3A_382 = arith.mulf %parallel_loop3A_379, %parallel_loop3A_381 : vector<16xf32>
      %parallel_loop3A_383 = arith.index_cast %parallel_loop3A_370 : i32 to index
      %parallel_loop3A_384 = arith.index_cast %parallel_loop3A_375 : i32 to index
      %parallel_loop3A_385 = tpu.vector_load %arg10[%parallel_loop3A_383, %parallel_loop3A_384] {strides = array<i32>} : memref<16x1024xf32, #tpu.memory_space<vmem>>, vector<1x16xf32>,
      %parallel_loop3A_386 = vector.shape_cast %parallel_loop3A_385 : vector<1x16xf32> to vector<16xf32>
      %parallel_loop3A_387 = vector.shape_cast %parallel_loop3A_382 : vector<16xf32> to vector<1x16xf32>
      tpu.vector_store %arg10[%parallel_loop3A_383, %parallel_loop3A_384], %parallel_loop3A_387 {strides = array<i32>} : memref<16x1024xf32, #tpu.memory_space<vmem>>, vector<1x16xf32>,
    } {sc.loop_unroll_factor = 8 : i64, sc.parallel_access}
    %add3A_308 = arith.constant 208 : i32
    %add3A_309 = arith.addi %mul3A_2, %add3A_308 : i32
    %dma_start3A_310 = arith.constant 0 : i32
    %dma_start3A_311 = tpu.memref_slice %arg3[%add3A_309, %dma_start3A_310] : memref<8192x1024xf32, #tpu.memory_space<hbm>> -> memref<16x1024xf32, #tpu.memory_space<hbm>>
    %dma_start3A_312 = arith.constant 0 : i32
    %dma_start3A_313 = tpu.memref_slice %arg3[%add3A_309, %dma_start3A_312] : memref<8192x1024xf32, #tpu.memory_space<hbm>> -> memref<16x1024xf32, #tpu.memory_space<hbm>>
    tpu.enqueue_dma source(%arg10 : memref<16x1024xf32, #tpu.memory_space<vmem>>) target(%dma_start3A_313 : memref<16x1024xf32, #tpu.memory_space<hbm>>) target_semaphore(%arg24 : memref<!tpu.dma_semaphore, #tpu.memory_space<semaphore_mem>>)
    %dma_wait3A_314 = arith.constant 0 : i32
    %dma_wait3A_315 = tpu.memref_slice %arg2[%add3A_221, %dma_wait3A_314] : memref<8192x1024xf32, #tpu.memory_space<hbm>> -> memref<16x1024xf32, #tpu.memory_space<hbm>>
    %dma_wait3A_316 = arith.constant 0 : i32
    %dma_wait3A_317 = tpu.memref_slice %arg2[%add3A_221, %dma_wait3A_316] : memref<8192x1024xf32, #tpu.memory_space<hbm>> -> memref<16x1024xf32, #tpu.memory_space<hbm>>
    tpu.wait_dma2 semaphore(%arg11 : memref<!tpu.dma_semaphore, #tpu.memory_space<semaphore_mem>>) src(%dma_wait3A_317 : memref<16x1024xf32, #tpu.memory_space<hbm>>) dst(%arg4 : memref<16x1024xf32, #tpu.memory_space<vmem>>)
    %parallel_loop3A_318 = arith.constant 0 : i32
    %parallel_loop3A_319 = arith.constant 1024 : i32
    %parallel_loop3A_320 = arith.constant 1 : i32
    scf.for %parallel_loop3A_368 = %parallel_loop3A_318 to %parallel_loop3A_319 step %parallel_loop3A_320  : i32 {
      %parallel_loop3A_369 = arith.constant 6 : i32
      %parallel_loop3A_370 = arith.shrui %parallel_loop3A_368, %parallel_loop3A_369 : i32
      %parallel_loop3A_371 = arith.constant 63 : i32
      %parallel_loop3A_372 = arith.andi %parallel_loop3A_368, %parallel_loop3A_371 : i32
      %parallel_loop3A_373 = arith.constant 4 : i32
      %parallel_loop3A_374 = arith.shli %parallel_loop3A_372, %parallel_loop3A_373 : i32
      %parallel_loop3A_375 = tpu.assume_multiple %parallel_loop3A_374, 16 : i32
      %parallel_loop3A_376 = arith.index_cast %parallel_loop3A_370 : i32 to index
      %parallel_loop3A_377 = arith.index_cast %parallel_loop3A_375 : i32 to index
      %parallel_loop3A_378 = tpu.vector_load %arg4[%parallel_loop3A_376, %parallel_loop3A_377] {strides = array<i32>} : memref<16x1024xf32, #tpu.memory_space<vmem>>, vector<1x16xf32>,
      %parallel_loop3A_379 = vector.shape_cast %parallel_loop3A_378 : vector<1x16xf32> to vector<16xf32>
      %parallel_loop3A_380 = arith.constant 3.125000e-02 : f32
      %parallel_loop3A_381 = vector.broadcast %parallel_loop3A_380 : f32 to vector<16xf32>
      %parallel_loop3A_382 = arith.mulf %parallel_loop3A_379, %parallel_loop3A_381 : vector<16xf32>
      %parallel_loop3A_383 = arith.index_cast %parallel_loop3A_370 : i32 to index
      %parallel_loop3A_384 = arith.index_cast %parallel_loop3A_375 : i32 to index
      %parallel_loop3A_385 = tpu.vector_load %arg4[%parallel_loop3A_383, %parallel_loop3A_384] {strides = array<i32>} : memref<16x1024xf32, #tpu.memory_space<vmem>>, vector<1x16xf32>,
      %parallel_loop3A_386 = vector.shape_cast %parallel_loop3A_385 : vector<1x16xf32> to vector<16xf32>
      %parallel_loop3A_387 = vector.shape_cast %parallel_loop3A_382 : vector<16xf32> to vector<1x16xf32>
      tpu.vector_store %arg4[%parallel_loop3A_383, %parallel_loop3A_384], %parallel_loop3A_387 {strides = array<i32>} : memref<16x1024xf32, #tpu.memory_space<vmem>>, vector<1x16xf32>,
    } {sc.loop_unroll_factor = 8 : i64, sc.parallel_access}
    %add3A_321 = arith.constant 224 : i32
    %add3A_322 = arith.addi %mul3A_2, %add3A_321 : i32
    %dma_start3A_323 = arith.constant 0 : i32
    %dma_start3A_324 = tpu.memref_slice %arg3[%add3A_322, %dma_start3A_323] : memref<8192x1024xf32, #tpu.memory_space<hbm>> -> memref<16x1024xf32, #tpu.memory_space<hbm>>
    %dma_start3A_325 = arith.constant 0 : i32
    %dma_start3A_326 = tpu.memref_slice %arg3[%add3A_322, %dma_start3A_325] : memref<8192x1024xf32, #tpu.memory_space<hbm>> -> memref<16x1024xf32, #tpu.memory_space<hbm>>
    tpu.enqueue_dma source(%arg4 : memref<16x1024xf32, #tpu.memory_space<vmem>>) target(%dma_start3A_326 : memref<16x1024xf32, #tpu.memory_space<hbm>>) target_semaphore(%arg18 : memref<!tpu.dma_semaphore, #tpu.memory_space<semaphore_mem>>)
    %dma_wait3A_327 = arith.constant 0 : i32
    %dma_wait3A_328 = tpu.memref_slice %arg2[%add3A_244, %dma_wait3A_327] : memref<8192x1024xf32, #tpu.memory_space<hbm>> -> memref<16x1024xf32, #tpu.memory_space<hbm>>
    %dma_wait3A_329 = arith.constant 0 : i32
    %dma_wait3A_330 = tpu.memref_slice %arg2[%add3A_244, %dma_wait3A_329] : memref<8192x1024xf32, #tpu.memory_space<hbm>> -> memref<16x1024xf32, #tpu.memory_space<hbm>>
    tpu.wait_dma2 semaphore(%arg12 : memref<!tpu.dma_semaphore, #tpu.memory_space<semaphore_mem>>) src(%dma_wait3A_330 : memref<16x1024xf32, #tpu.memory_space<hbm>>) dst(%arg5 : memref<16x1024xf32, #tpu.memory_space<vmem>>)
    %parallel_loop3A_331 = arith.constant 0 : i32
    %parallel_loop3A_332 = arith.constant 1024 : i32
    %parallel_loop3A_333 = arith.constant 1 : i32
    scf.for %parallel_loop3A_368 = %parallel_loop3A_331 to %parallel_loop3A_332 step %parallel_loop3A_333  : i32 {
      %parallel_loop3A_369 = arith.constant 6 : i32
      %parallel_loop3A_370 = arith.shrui %parallel_loop3A_368, %parallel_loop3A_369 : i32
      %parallel_loop3A_371 = arith.constant 63 : i32
      %parallel_loop3A_372 = arith.andi %parallel_loop3A_368, %parallel_loop3A_371 : i32
      %parallel_loop3A_373 = arith.constant 4 : i32
      %parallel_loop3A_374 = arith.shli %parallel_loop3A_372, %parallel_loop3A_373 : i32
      %parallel_loop3A_375 = tpu.assume_multiple %parallel_loop3A_374, 16 : i32
      %parallel_loop3A_376 = arith.index_cast %parallel_loop3A_370 : i32 to index
      %parallel_loop3A_377 = arith.index_cast %parallel_loop3A_375 : i32 to index
      %parallel_loop3A_378 = tpu.vector_load %arg5[%parallel_loop3A_376, %parallel_loop3A_377] {strides = array<i32>} : memref<16x1024xf32, #tpu.memory_space<vmem>>, vector<1x16xf32>,
      %parallel_loop3A_379 = vector.shape_cast %parallel_loop3A_378 : vector<1x16xf32> to vector<16xf32>
      %parallel_loop3A_380 = arith.constant 3.125000e-02 : f32
      %parallel_loop3A_381 = vector.broadcast %parallel_loop3A_380 : f32 to vector<16xf32>
      %parallel_loop3A_382 = arith.mulf %parallel_loop3A_379, %parallel_loop3A_381 : vector<16xf32>
      %parallel_loop3A_383 = arith.index_cast %parallel_loop3A_370 : i32 to index
      %parallel_loop3A_384 = arith.index_cast %parallel_loop3A_375 : i32 to index
      %parallel_loop3A_385 = tpu.vector_load %arg5[%parallel_loop3A_383, %parallel_loop3A_384] {strides = array<i32>} : memref<16x1024xf32, #tpu.memory_space<vmem>>, vector<1x16xf32>,
      %parallel_loop3A_386 = vector.shape_cast %parallel_loop3A_385 : vector<1x16xf32> to vector<16xf32>
      %parallel_loop3A_387 = vector.shape_cast %parallel_loop3A_382 : vector<16xf32> to vector<1x16xf32>
      tpu.vector_store %arg5[%parallel_loop3A_383, %parallel_loop3A_384], %parallel_loop3A_387 {strides = array<i32>} : memref<16x1024xf32, #tpu.memory_space<vmem>>, vector<1x16xf32>,
    } {sc.loop_unroll_factor = 8 : i64, sc.parallel_access}
    %add3A_334 = arith.constant 240 : i32
    %add3A_335 = arith.addi %mul3A_2, %add3A_334 : i32
    %dma_start3A_336 = arith.constant 0 : i32
    %dma_start3A_337 = tpu.memref_slice %arg3[%add3A_335, %dma_start3A_336] : memref<8192x1024xf32, #tpu.memory_space<hbm>> -> memref<16x1024xf32, #tpu.memory_space<hbm>>
    %dma_start3A_338 = arith.constant 0 : i32
    %dma_start3A_339 = tpu.memref_slice %arg3[%add3A_335, %dma_start3A_338] : memref<8192x1024xf32, #tpu.memory_space<hbm>> -> memref<16x1024xf32, #tpu.memory_space<hbm>>
    tpu.enqueue_dma source(%arg5 : memref<16x1024xf32, #tpu.memory_space<vmem>>) target(%dma_start3A_339 : memref<16x1024xf32, #tpu.memory_space<hbm>>) target_semaphore(%arg19 : memref<!tpu.dma_semaphore, #tpu.memory_space<semaphore_mem>>)
    %dma_wait3A_340 = arith.constant 0 : i32
    %dma_wait3A_341 = tpu.memref_slice %arg3[%add3A_257, %dma_wait3A_340] : memref<8192x1024xf32, #tpu.memory_space<hbm>> -> memref<16x1024xf32, #tpu.memory_space<hbm>>
    %dma_wait3A_342 = arith.constant 0 : i32
    %dma_wait3A_343 = tpu.memref_slice %arg3[%add3A_257, %dma_wait3A_342] : memref<8192x1024xf32, #tpu.memory_space<hbm>> -> memref<16x1024xf32, #tpu.memory_space<hbm>>
    tpu.wait_dma2 semaphore(%arg20 : memref<!tpu.dma_semaphore, #tpu.memory_space<semaphore_mem>>) src(%arg6 : memref<16x1024xf32, #tpu.memory_space<vmem>>) dst(%dma_wait3A_343 : memref<16x1024xf32, #tpu.memory_space<hbm>>)
    %dma_wait3A_344 = arith.constant 0 : i32
    %dma_wait3A_345 = tpu.memref_slice %arg3[%add3A_270, %dma_wait3A_344] : memref<8192x1024xf32, #tpu.memory_space<hbm>> -> memref<16x1024xf32, #tpu.memory_space<hbm>>
    %dma_wait3A_346 = arith.constant 0 : i32
    %dma_wait3A_347 = tpu.memref_slice %arg3[%add3A_270, %dma_wait3A_346] : memref<8192x1024xf32, #tpu.memory_space<hbm>> -> memref<16x1024xf32, #tpu.memory_space<hbm>>
    tpu.wait_dma2 semaphore(%arg21 : memref<!tpu.dma_semaphore, #tpu.memory_space<semaphore_mem>>) src(%arg7 : memref<16x1024xf32, #tpu.memory_space<vmem>>) dst(%dma_wait3A_347 : memref<16x1024xf32, #tpu.memory_space<hbm>>)
    %dma_wait3A_348 = arith.constant 0 : i32
    %dma_wait3A_349 = tpu.memref_slice %arg3[%add3A_283, %dma_wait3A_348] : memref<8192x1024xf32, #tpu.memory_space<hbm>> -> memref<16x1024xf32, #tpu.memory_space<hbm>>
    %dma_wait3A_350 = arith.constant 0 : i32
    %dma_wait3A_351 = tpu.memref_slice %arg3[%add3A_283, %dma_wait3A_350] : memref<8192x1024xf32, #tpu.memory_space<hbm>> -> memref<16x1024xf32, #tpu.memory_space<hbm>>
    tpu.wait_dma2 semaphore(%arg22 : memref<!tpu.dma_semaphore, #tpu.memory_space<semaphore_mem>>) src(%arg8 : memref<16x1024xf32, #tpu.memory_space<vmem>>) dst(%dma_wait3A_351 : memref<16x1024xf32, #tpu.memory_space<hbm>>)
    %dma_wait3A_352 = arith.constant 0 : i32
    %dma_wait3A_353 = tpu.memref_slice %arg3[%add3A_296, %dma_wait3A_352] : memref<8192x1024xf32, #tpu.memory_space<hbm>> -> memref<16x1024xf32, #tpu.memory_space<hbm>>
    %dma_wait3A_354 = arith.constant 0 : i32
    %dma_wait3A_355 = tpu.memref_slice %arg3[%add3A_296, %dma_wait3A_354] : memref<8192x1024xf32, #tpu.memory_space<hbm>> -> memref<16x1024xf32, #tpu.memory_space<hbm>>
    tpu.wait_dma2 semaphore(%arg23 : memref<!tpu.dma_semaphore, #tpu.memory_space<semaphore_mem>>) src(%arg9 : memref<16x1024xf32, #tpu.memory_space<vmem>>) dst(%dma_wait3A_355 : memref<16x1024xf32, #tpu.memory_space<hbm>>)
    %dma_wait3A_356 = arith.constant 0 : i32
    %dma_wait3A_357 = tpu.memref_slice %arg3[%add3A_309, %dma_wait3A_356] : memref<8192x1024xf32, #tpu.memory_space<hbm>> -> memref<16x1024xf32, #tpu.memory_space<hbm>>
    %dma_wait3A_358 = arith.constant 0 : i32
    %dma_wait3A_359 = tpu.memref_slice %arg3[%add3A_309, %dma_wait3A_358] : memref<8192x1024xf32, #tpu.memory_space<hbm>> -> memref<16x1024xf32, #tpu.memory_space<hbm>>
    tpu.wait_dma2 semaphore(%arg24 : memref<!tpu.dma_semaphore, #tpu.memory_space<semaphore_mem>>) src(%arg10 : memref<16x1024xf32, #tpu.memory_space<vmem>>) dst(%dma_wait3A_359 : memref<16x1024xf32, #tpu.memory_space<hbm>>)
    %dma_wait3A_360 = arith.constant 0 : i32
    %dma_wait3A_361 = tpu.memref_slice %arg3[%add3A_322, %dma_wait3A_360] : memref<8192x1024xf32, #tpu.memory_space<hbm>> -> memref<16x1024xf32, #tpu.memory_space<hbm>>
    %dma_wait3A_362 = arith.constant 0 : i32
    %dma_wait3A_363 = tpu.memref_slice %arg3[%add3A_322, %dma_wait3A_362] : memref<8192x1024xf32, #tpu.memory_space<hbm>> -> memref<16x1024xf32, #tpu.memory_space<hbm>>
    tpu.wait_dma2 semaphore(%arg18 : memref<!tpu.dma_semaphore, #tpu.memory_space<semaphore_mem>>) src(%arg4 : memref<16x1024xf32, #tpu.memory_space<vmem>>) dst(%dma_wait3A_363 : memref<16x1024xf32, #tpu.memory_space<hbm>>)
    %dma_wait3A_364 = arith.constant 0 : i32
    %dma_wait3A_365 = tpu.memref_slice %arg3[%add3A_335, %dma_wait3A_364] : memref<8192x1024xf32, #tpu.memory_space<hbm>> -> memref<16x1024xf32, #tpu.memory_space<hbm>>
    %dma_wait3A_366 = arith.constant 0 : i32
    %dma_wait3A_367 = tpu.memref_slice %arg3[%add3A_335, %dma_wait3A_366] : memref<8192x1024xf32, #tpu.memory_space<hbm>> -> memref<16x1024xf32, #tpu.memory_space<hbm>>
    tpu.wait_dma2 semaphore(%arg19 : memref<!tpu.dma_semaphore, #tpu.memory_space<semaphore_mem>>) src(%arg5 : memref<16x1024xf32, #tpu.memory_space<vmem>>) dst(%dma_wait3A_367 : memref<16x1024xf32, #tpu.memory_space<hbm>>)
    return
  }
}

</mosaic_0001>

<sc_bundles>
// kernel: kernel.3.cloned.1.call-start
scs
__scs_entry_jumppad:
0x0: {  	(pc) =	sbr.rel $0x88, $3  }
0x1: {  	(tag) =	ssettag $0x0;
	lr =	simm.s32 $0x1  }
0x2: {  	[smem:$0x3FA0] =	sst lr;
	_ =	strace $0xD0000000  }
0x3: {  	_ = 	snop  }
0x4: {  	_ = 	snop  }
0x5: {  	_ = 	snop  }
0x6: {  	_ = 	snop  }
0x7: {  	_ = 	snop  }
__scs_overlays_trampoline_lowered:
0x8: {  	[smem:$0x3FAF] =	sst s0  }
0x9: {  	[smem:$0x3FB0] =	sst s1  }
0xa: {  	[smem:$0x3FB1] =	sst s2  }
0xb: {  	[smem:$0x3FB2] =	sst s3  }
0xc: {  	[smem:$0x3FB3] =	sst s4  }
0xd: {  	[smem:$0x3FB4] =	sst s5  }
0xe: {  	[smem:$0x3FB5] =	sst s6  }
0xf: {  	[smem:$0x3FB6] =	sst s7  }
0x10: {  	[smem:$0x3FB7] =	sst s8  }
0x11: {  	[smem:$0x3FB8] =	sst s9;
	s0 =	simm.s32 @!p0 $0x0  }
0x12: {  	s1 =	sld [smem:$0x3F9E];
	s0 =	simm.s32 @p0 $0x1  }
0x13: {  	[smem:$0x3FB9] =	sst s0;
	s0 =	simm.s32 @!p1 $0x0  }
0x14: {  	s2 =	sld [smem:$0x3F9D];
	s0 =	simm.s32 @p1 $0x1  }
0x15: {  	[smem:$0x3FBA] =	sst s0;
	s0 =	simm.s32 @!p2 $0x0  }
0x16: {  	s3 =	sld [smem:$0x3FDB];
	s0 =	simm.s32 @p2 $0x1  }
0x17: {  	s4 =	simm.s32 $0x1BF5;
	[smem:$0x3FBC] =	sst s0  }
0x18: {  	s0 =	sld [smem:$0x3F9F];
	_ =	swait.ge [sflag:s4], $0x0  }
0x19: {  	s7 =	sld [smem:$0x3FA0]  }
0x1a: {  	s8 =	sadd.s32 $0xFFFFE003, lr  }
0x1b: {  	s9 =	sadd.s32 $0xFFFFFEF7, lr;
	s5 =	simm.s32 $0xFFFFFFFF;
	p2 =	slt.u32 s8, $0xFFFFF086  }
0x1c: {  	p1 =	slt.u32 s9, $0xF7A;
	s5 =	simm.s32 @!p2 $0x0  }
0x1d: {  	s5 =	simm.s32 @p1 $0x1;
	p0 =	seq.s32 s7, s2  }
0x1e: {  	s7 =	smul.u32 @!p0 $0xF7A, s2;
	p2 =	seq.s32 @!p0 s5, $0x0  }
0x1f: {  	s9 =	smul.u32 $0xF7A, s1;
	s8 =	simm.s32 @!p0 $0x1BF5;
	p2 =	por !p2, p0  }
0x20: {  	[sflag:s8] =	ssyncset.s32 @!p0 $0xFFFFF086;
	s6 =	sadd.s32 @!p0 s3, s7;
	s7 =	simm.s32 @!p0 $0x108  }
0x21: {  	s3 =	sadd.s32 s3, s9;
	s6 =	sadd.s32 @!p0 $0x88, s6;
	s7 =	simm.s32 @p2 $0x1082  }
0x22: {  	[simem:s7], [sflag:s8] =	dma.local @!p0 [hbm:s6], $0xF7A  }
0x23: {  	s9 =	sor.u32 $0xD0000000, s2;
	s6 =	simm.s32 $0x108;
	_ =	swait.ge @!p0 [sflag:s8], $0x0  }
0x24: {  	s3 =	sadd.s32 $0x88, s3;
	s6 =	simm.s32 @!p1 $0x1082;
	[sflag:s4] =	ssyncset.s32 $0xFFFFF086  }
0x25: {  	[simem:s6], [sflag:s4] =	dma.local [hbm:s3], $0xF7A  }
0x26: {  	[smem:$0x3FA0] =	sst s1;
	(tag) =	ssettag s2;
	_ =	strace s9  }
0x27: {  	s1 =	sld [smem:$0x3FB0]  }
0x28: {  	s2 =	sld [smem:$0x3FB1]  }
0x29: {  	s4 =	sld [smem:$0x3FB3]  }
0x2a: {  	p0 =	seq.s32 s5, $0x0;
	s5 =	sld [smem:$0x3FB4]  }
0x2b: {  	s6 =	sld [smem:$0x3FB5]  }
0x2c: {  	s7 =	sld [smem:$0x3FB6]  }
0x2d: {  	s3 =	simm.s32 $0x108;
	s8 =	sld [smem:$0x3FB7]  }
0x2e: {  	s3 =	simm.s32 @!p0 $0x1082;
	s9 =	sld [smem:$0x3FB8]  }
0x2f: {  	lr =	sadd.s32 s0, s3;
	s0 =	sld [smem:$0x3FAF]  }
0x30: {  	s3 =	sld [smem:$0x3FB2]  }
0x31: {  	[smem:$0x3FBB] =	sst s10  }
0x32: {  	s10 =	sld [smem:$0x3FB9];
	_ =	sdelay $0x3  }
0x33: {  	p0 =	seq.s32 s10, $0x1;
	s10 =	sld [smem:$0x3FBB];
	_ =	sdelay $0x3  }
0x34: {  	[smem:$0x3FBB] =	sst s10  }
0x35: {  	s10 =	sld [smem:$0x3FBA];
	_ =	sdelay $0x3  }
0x36: {  	p1 =	seq.s32 s10, $0x1;
	s10 =	sld [smem:$0x3FBB];
	_ =	sdelay $0x3  }
0x37: {  	[smem:$0x3FBB] =	sst s10  }
0x38: {  	s10 =	sld [smem:$0x3FBC]  }
0x39: {  	_ = 	snop;
	(pc) =	sbr.ind lr, $3  }
0x3a: {  	_ = 	snop  }
0x3b: {  	_ = 	snop  }
0x3c: {  	p2 =	seq.s32 s10, $0x1;
	s10 =	sld [smem:$0x3FBB]  }
0x3d: {  	_ =	shalt  }
0x3e: {  	_ =	shalt  }
0x3f: {  	_ =	shalt  }
0x40: {  	_ =	shalt  }
0x41: {  	_ =	shalt  }
0x42: {  	_ =	shalt  }
0x43: {  	_ =	shalt  }
0x44: {  	_ =	shalt  }
0x45: {  	_ =	shalt  }
0x46: {  	_ =	shalt  }
0x47: {  	_ =	shalt  }
0x48: {  	_ =	shalt  }
0x49: {  	_ =	shalt  }
0x4a: {  	_ =	shalt  }
0x4b: {  	_ =	shalt  }
0x4c: {  	_ =	shalt  }
0x4d: {  	_ =	shalt  }
0x4e: {  	_ =	shalt  }
0x4f: {  	_ =	shalt  }
0x50: {  	_ =	shalt  }
0x51: {  	_ =	shalt  }
0x52: {  	_ =	shalt  }
0x53: {  	_ =	shalt  }
0x54: {  	_ =	shalt  }
0x55: {  	_ =	shalt  }
0x56: {  	_ =	shalt  }
0x57: {  	_ =	shalt  }
0x58: {  	_ =	shalt  }
0x59: {  	_ =	shalt  }
0x5a: {  	_ =	shalt  }
0x5b: {  	_ =	shalt  }
0x5c: {  	_ =	shalt  }
0x5d: {  	_ =	shalt  }
0x5e: {  	_ =	shalt  }
0x5f: {  	_ =	shalt  }
0x60: {  	_ =	shalt  }
0x61: {  	_ =	shalt  }
0x62: {  	_ =	shalt  }
0x63: {  	_ =	shalt  }
0x64: {  	_ =	shalt  }
0x65: {  	_ =	shalt  }
0x66: {  	_ =	shalt  }
0x67: {  	_ =	shalt  }
0x68: {  	_ =	shalt  }
0x69: {  	_ =	shalt  }
0x6a: {  	_ =	shalt  }
0x6b: {  	_ =	shalt  }
0x6c: {  	_ =	shalt  }
0x6d: {  	_ =	shalt  }
0x6e: {  	_ =	shalt  }
0x6f: {  	_ =	shalt  }
0x70: {  	_ =	shalt  }
0x71: {  	_ =	shalt  }
0x72: {  	_ =	shalt  }
0x73: {  	_ =	shalt  }
0x74: {  	_ =	shalt  }
0x75: {  	_ =	shalt  }
0x76: {  	_ =	shalt  }
0x77: {  	_ =	shalt  }
0x78: {  	_ =	shalt  }
0x79: {  	_ =	shalt  }
0x7a: {  	_ =	shalt  }
0x7b: {  	_ =	shalt  }
0x7c: {  	_ =	shalt  }
0x7d: {  	_ =	shalt  }
0x7e: {  	_ =	shalt  }
0x7f: {  	_ =	shalt  }
0x80: {  	_ =	shalt  }
0x81: {  	_ =	shalt  }
0x82: {  	_ =	shalt  }
0x83: {  	_ =	shalt  }
0x84: {  	_ =	shalt  }
0x85: {  	_ =	shalt  }
0x86: {  	_ =	shalt  }
0x87: {  	_ =	shalt  }
.Lfunc_end0:
.L_simem_size_0:
called_computation_lowered:
.L_overlay_start_0:
0x88: {  	s2 =	sld [smem:$0x3FD9]  }
0x89: {  	s3 =	sld [smem:$0x3FFE];
	_ =	sdelay $0x1  }
0x8a: {  	s1 =	srdreg.scid  }
0x8b: {  	s0 =	sand.u32 $0x1, s1  }
0x8c: {  	s18 =	sshll.u32 s0, $0xA;
	s2 =	sadd.s32 s3, s2  }
0x8d: {  	s2 =	sadd.s32 s2, s18  }
0x8e: {  	[smem:$0x3FC7] =	sst s2  }
0x8f: {  	_ = 	snop  }
0x90: {  	s2 =	sld [smem:$0x3FC9]  }
0x91: {  	s19 =	sld [smem:$0x3FD0];
	(tm) =	ssettm $0x1  }
0x92: {  	s4 =	sld [smem:$0x3FFB];
	_ =	sdelay $0x3  }
0x93: {  	_ =	strace s4  }
0x94: {  	s4 =	sld [smem:$0x3FFC];
	_ =	sdelay $0x3  }
0x95: {  	_ =	strace s4  }
0x96: {  	s4 =	sld [smem:$0x3FFD];
	_ =	sdelay $0x3  }
0x97: {  	_ =	strace s4  }
0x98: {  	_ =	strace $0x8FFFFFFF  }
0x99: {  	s20 =	sld [smem:$0x3FDB];
	_ =	sdelay $0x1  }
0x9a: {  	s5 =	simm.s32 $_scs_section_size  }
0x9b: {  	s6 =	simm.s32 $_size__tile_overlayer_lowered;
	s7 =	simm.s32 $_tile_overlayer_lowered  }
0x9c: {  	s23 =	simm.s32 $0x1BFF;
	s22 =	sshll.u32 s7, $0x1;
	s4 =	sadd.s32 s5, s20  }
0x9d: {  	s8 =	simm.s32 $0x0;
	s21 =	sshll.u32 s6, $0x1;
	s6 =	sadd.s32 s22, s4  }
0x9e: {  	[timem:s8], [sflag:s23] =	dma.local [hbm:s6], s21  }
0x9f: {  	_ =	swait.ge [sflag:s23], s21  }
0xa0: {  	s5 =	ssub.s32 $0x0, s21;
	[sflag:s23] =	ssyncset.done $0x0  }
0xa1: {  	[sflag:s23] =	ssyncadd.s32 s5;
	_ =	sdelay $0x1  }
0xa2: {  	s24 =	simm.s32 $0x1B8B  }
0xa3: {  	_ =	swait.ge [sflag:s24], $0x1  }
0xa4: {  	[sflag:s24] =	ssyncset.done $0x0  }
0xa5: {  	s25 =	simm.s32 $0x1B8E;
	[sflag:s24] =	ssyncadd.s32 $0xFFFFFFFF  }
0xa6: {  	s26 =	simm.s32 $execute0_lowered;
	[smem:$0x3FD2] =	sst s25  }
0xa7: {  	s5 =	sshll.u32 s26, $0x1;
	_ =	strace $0x80000046;
	[dreg:$0x1] =	wrdreg $0xFFFFFFFF  }
0xa8: {  	s28 =	simm.s32 $_size_execute0_lowered;
	s4 =	sadd.s32 s4, s5;
	[dreg:$0x0] =	wrdreg $0x0  }
0xa9: {  	s5 =	sshll.u32 s28, $0x1;
	[dreg:$0x2] =	wrdreg s4  }
0xaa: {  	[dreg:$0x3] =	wrdreg s5  }
0xab: {  	[dreg:$0x4] =	wrdreg $0xC0  }
0xac: {  	_ =	task [dreg:s8], $0x5FFFF  }
0xad: {  	[dreg:$0x1] =	wrdreg $0xFFFFFFFF  }
0xae: {  	[dreg:$0x0] =	wrdreg $0x60  }
0xaf: {  	[dreg:$0x2] =	wrdreg s2  }
0xb0: {  	[dreg:$0x3] =	wrdreg s19  }
0xb1: {  	[dreg:$0x4] =	wrdreg $0x9  }
0xb2: {  	_ =	task.clear_ibuf [dreg:s8], $0x5FFFF;
	_ =	strace $0x90000046  }
0xb3: {  	s29 =	simm.s32 $0x9;
	_ =	strace $0x80000048  }
0xb4: {  	_ =	swait.ge [sflag:s29], $0x1  }
0xb5: {  	[sflag:s29] =	ssyncadd.s32 $0xFFFFFFFF  }
0xb6: {  	_ =	strace $0x90000048  }
0xb7: {  	_ =	sfence  }
0xb8: {  	s30 =	sld [smem:$0x0];
	_ =	sdelay $0x2  }
0xb9: {  	s31 =	sshll.u32 s1, $0xD;
	s1 =	sshrl.u32 s1, $0x2  }
0xba: {  	s3 =	sand.u32 $0x4000, s31;
	s1 =	sadd.s32 s1, s30  }
0xbb: {  	s0 =	sor.u32 s3, s0;
	s1 =	sshll.u32 s1, $0x11  }
0xbc: {  	s0 =	sor.u32 s1, s0  }
0xbd: {  	s0 =	sadd.s32 $0x8F2B, s0  }
0xbe: {  	[sflag:s0] =	ssyncadd.remote.s32 $0x1  }
0xbf: {  	_ =	sfence.sel $0xFFFF  }
0xc0: {  	[dreg:$0x0] =	wrdreg $0xFFFFFFFF;
	(pc) =	sbr.abs _section_cstart, $3  }
0xc1: {  	[dreg:$0x1] =	wrdreg $0xFFFFFFFF  }
0xc2: {  	_ =	task.clear_ibuf [dreg:s8], $0x2FFFF;
	_ =	strace $0x9FFFFFFF  }
0xc3: {  	(tm) =	ssettm $0x7FFFFFFF  }
tec
execute0_lowered:
.L_overlay_start_1:
0x0: {  	(tag) =	ssettag $0x1  }
0x1: {  	s2 =	srdreg.scid  }
0x2: {  	s0 =	rddreg [dreg:$0x0];
	s5 =	stileid.u32;
	s2 =	sand.u32 $0x1, s2  }
0x3: {  	s5 =	sshll.u32 s5, $0x10;
	s4 =	ssub.s32 $0x2, s2;
	s2 =	sshll.u32 s2, $0xF  }
0x4: {  	s3 =	rddreg [dreg:$0x1];
	s1 =	simm.s32 $0x0;
	s2 =	sor.u32 s2, s5  }
0x5: {  	[smem:$0x7FF] =	sst s1;
	s5 =	sadd.s32 s0, s2  }
0x6: {  	s15 =	sor.u32 $0x800, s2;
	s12 =	sadd.s32 s3, s2;
	[dreg:$0x3] =	wrdreg s5  }
0x7: {  	s17 =	sor.u32 $0x1000, s2;
	s16 =	sadd.s32 s0, s15;
	[dreg:$0xa] =	wrdreg s12  }
0x8: {  	s7 =	sor.u32 $0x1800, s2;
	s8 =	sadd.s32 s0, s17;
	[dreg:$0x4] =	wrdreg s16  }
0x9: {  	s19 =	sor.u32 $0x2000, s2;
	s18 =	sadd.s32 s0, s7;
	[dreg:$0x5] =	wrdreg s8  }
0xa: {  	s20 =	sor.u32 $0x2800, s2;
	s9 =	sadd.s32 s0, s19;
	[dreg:$0x6] =	wrdreg s18  }
0xb: {  	s10 =	sor.u32 $0x3000, s2;
	s11 =	sadd.s32 s0, s20;
	[dreg:$0x7] =	wrdreg s9  }
0xc: {  	s22 =	sor.u32 $0x3800, s2;
	s21 =	sadd.s32 s0, s10;
	[dreg:$0x8] =	wrdreg s11  }
0xd: {  	s23 =	sadd.s32 s0, s22;
	[dreg:$0x9] =	wrdreg s21  }
0xe: {  	s24 =	sor.u32 $0x4000, s2;
	s5 =	sadd.s32 s3, s15;
	[dreg:$0xb] =	wrdreg s23  }
0xf: {  	s25 =	sadd.s32 s0, s24;
	[dreg:$0xc] =	wrdreg s5  }
0x10: {  	s26 =	sadd.s32 s3, s17;
	[dreg:$0xd] =	wrdreg s25  }
0x11: {  	s29 =	sadd.s32 s3, s7;
	[dreg:$0xe] =	wrdreg s26  }
0x12: {  	s28 =	sor.u32 $0x4800, s2;
	s31 =	sadd.s32 s3, s19;
	[dreg:$0xf] =	wrdreg s29  }
0x13: {  	s6 =	sshrl.u32 s4, $0x1;
	s17 =	sadd.s32 s0, s28;
	[dreg:$0x10] =	wrdreg s31  }
0x14: {  	s4 =	ssub.s32 s4, s6;
	s8 =	sadd.s32 s3, s20;
	[dreg:$0x15] =	wrdreg s17  }
0x15: {  	s30 =	sor.u32 $0x5000, s2;
	s9 =	sadd.s32 s3, s10;
	[dreg:$0x11] =	wrdreg s8  }
0x16: {  	s13 =	sor.u32 $0x6000, s2;
	s10 =	sadd.s32 s3, s22;
	[dreg:$0x12] =	wrdreg s9  }
0x17: {  	s14 =	sor.u32 $0x6800, s2;
	s11 =	sadd.s32 s3, s24;
	[dreg:$0x13] =	wrdreg s10  }
0x18: {  	s12 =	sor.u32 $0x5800, s2;
	s18 =	sadd.s32 s0, s30;
	[dreg:$0x14] =	wrdreg s11  }
0x19: {  	s6 =	simm.s32 $0x8000;
	s19 =	sadd.s32 s0, s12;
	[dreg:$0x16] =	wrdreg s18  }
0x1a: {  	s15 =	sor.u32 $0x7000, s2;
	s20 =	sadd.s32 s0, s13;
	[dreg:$0x17] =	wrdreg s19  }
0x1b: {  	s7 =	simm.s32 $0xC000;
	s21 =	sadd.s32 s0, s14;
	[dreg:$0x18] =	wrdreg s20  }
0x1c: {  	s16 =	sor.u32 $0x7800, s2;
	s22 =	sadd.s32 s0, s15;
	[dreg:$0x19] =	wrdreg s21  }
0x1d: {  	s23 =	sadd.s32 s3, s28;
	s24 =	sadd.s32 s3, s30;
	[dreg:$0x1a] =	wrdreg s22  }
0x1e: {  	s25 =	sadd.s32 s3, s12;
	s26 =	sadd.s32 s3, s13;
	[dreg:$0x1c] =	wrdreg s23  }
0x1f: {  	s28 =	sadd.s32 s3, s14;
	s29 =	sadd.s32 s3, s15;
	[dreg:$0x1d] =	wrdreg s24  }
0x20: {  	s31 =	smax.u32 s4, $0x1;
	s5 =	simm.s32 $0x4000;
	[dreg:$0x1e] =	wrdreg s25  }
0x21: {  	s12 =	simm.s32 $0x8;
	s13 =	simm.s32 $0x2;
	[dreg:$0x1f] =	wrdreg s26  }
0x22: {  	s14 =	simm.s32 $0x9;
	s15 =	simm.s32 $0x3;
	[smem:$0x7FA] =	sst s28  }
0x23: {  	s17 =	simm.s32 $0x4;
	s0 =	sadd.s32 s0, s16;
	[smem:$0x7FB] =	sst s29  }
0x24: {  	s30 =	sadd.s32 s3, s16;
	s8 =	simm.s32 $0x10000;
	s9 =	simm.s32 $0x14000  }
0x25: {  	s10 =	simm.s32 $0x18000;
	s11 =	simm.s32 $0x1;
	s16 =	simm.s32 $0xA  }
0x26: {  	s18 =	simm.s32 $0xB;
	s19 =	simm.s32 $0x5;
	s20 =	simm.s32 $0xC  }
0x27: {  	s21 =	simm.s32 $0x6;
	s22 =	simm.s32 $0xD;
	[dreg:$0x1b] =	wrdreg s0  }
0x28: {  	s23 =	simm.s32 $0x7;
	s24 =	simm.s32 $0xE;
	[smem:$0x7FC] =	sst s30  }
0x29: {  	s25 =	simm.s32 $0x0;
	_ =	strace $0x80000047;
	[smem:$0x7FD] =	sst s31  }
.LBB2_1:
0x2a: {  	s0 =	rddreg [dreg:$0x3]  }
0x2b: {  	[tilespmem:s1], [sflag:$0x1] =	stream.linear.gather [hbm4b:s0+s1], $0x4000, $0x38;
	[tilespmem:$0x1C000] =	vst v63  }
0x2c: {  	s4 =	rddreg [dreg:$0x4]  }
0x2d: {  	[tilespmem:s5], [sflag:$0x2] =	stream.linear.gather [hbm4b:s4+s1], $0x4000, $0x38;
	[tilespmem:$0x1C000] =	vst v63  }
0x2e: {  	s26 =	rddreg [dreg:$0x5]  }
0x2f: {  	[tilespmem:s6], [sflag:$0x3] =	stream.linear.gather [hbm4b:s26+s1], $0x4000, $0x38;
	[tilespmem:$0x1C000] =	vst v63  }
0x30: {  	s2 =	rddreg [dreg:$0x6]  }
0x31: {  	[tilespmem:s7], [sflag:$0x4] =	stream.linear.gather [hbm4b:s2+s1], $0x4000, $0x38;
	[tilespmem:$0x1C000] =	vst v63  }
0x32: {  	s3 =	rddreg [dreg:$0x7]  }
0x33: {  	[tilespmem:s8], [sflag:$0x5] =	stream.linear.gather [hbm4b:s3+s1], $0x4000, $0x38;
	[tilespmem:$0x1C000] =	vst v63  }
0x34: {  	s4 =	rddreg [dreg:$0x8]  }
0x35: {  	[tilespmem:s9], [sflag:$0x6] =	stream.linear.gather [hbm4b:s4+s1], $0x4000, $0x38;
	[tilespmem:$0x1C000] =	vst v63  }
0x36: {  	s26 =	rddreg [dreg:$0x9]  }
0x37: {  	[tilespmem:s10], [sflag:$0x7] =	stream.linear.gather [hbm4b:s26+s1], $0x4000, $0x38;
	[tilespmem:$0x1C000] =	vst v63  }
0x38: {  	s2 =	sand.u32 $0x2000, s1;
	s26 =	sand.u32 $0x1C00, s1;
	_ =	swait.ge [sflag:s11], $0x4000  }
0x39: {  	s28 =	sand.u32 $0x380, s1;
	s0 =	sor.u32 s26, s2;
	[sflag:s11] =	ssyncset.done $0x0  }
0x3a: {  	s29 =	sor.u32 s28, s0;
	[sflag:s11] =	ssyncadd.s32 $0xFFFFC000  }
0x3b: {  	v0 =	vld [tilespmem:s29+$0x70]  }
0x3c: {  	v1 =	vld [tilespmem:s29+$0x0]  }
0x3d: {  	v2 =	vld [tilespmem:s29+$0x10]  }
0x3e: {  	v6 =	vld [tilespmem:s29+$0x40]  }
0x3f: {  	s3 =	simm.s32 $0x400;
	s4 =	simm.s32 $0x80;
	v3 =	vld [tilespmem:s29+$0x20]  }
0x40: {  	s26 =	sand.u32 $0x2000, s4;
	s28 =	simm.s32 $0x10;
	s0 =	sand.u32 $0x1C00, s3;
	v5 =	vld [tilespmem:s29+$0x30];
	v0 =	vmul.f32 $3.125000000e-02, v0  }
0x41: {  	s28 =	sand.u32 $0x380, s28;
	s0 =	sor.u32 s0, s26;
	v7 =	vld [tilespmem:s29+$0x50];
	v1 =	vmul.f32 $3.125000000e-02, v1  }
0x42: {  	s26 =	sor.u32 s28, s0;
	v9 =	vld [tilespmem:s29+$0x60];
	v8 =	vmul.f32 $3.125000000e-02, v2;
	[tilespmem:s29+$0x70] =	vst v0  }
0x43: {  	v4 =	vld [tilespmem:s26+$0x70];
	v6 =	vmul.f32 $3.125000000e-02, v6;
	[tilespmem:s29+$0x0] =	vst v1  }
0x44: {  	v2 =	vld [tilespmem:s26+$0x0];
	v0 =	vmul.f32 $3.125000000e-02, v3;
	[tilespmem:s29+$0x10] =	vst v8  }
0x45: {  	v1 =	vmul.f32 $3.125000000e-02, v5;
	v3 =	vld [tilespmem:s26+$0x10];
	[tilespmem:s29+$0x40] =	vst v6  }
0x46: {  	s30 =	simm.s32 $0x8;
	v5 =	vmul.f32 $3.125000000e-02, v7;
	[tilespmem:s29+$0x20] =	vst v0;
	v0 =	vld [tilespmem:s26+$0x20]  }
0x47: {  	s31 =	simm.s32 $0x20;
	s28 =	simm.s32 $0x800;
	s0 =	simm.s32 $0x100;
	v6 =	vmul.f32 $3.125000000e-02, v9;
	[tilespmem:s29+$0x30] =	vst v1;
	v1 =	vld [tilespmem:s26+$0x30]  }
.LBB2_2:
0x48: {  	s2 =	sand.u32 $0x2000, s0;
	s3 =	sand.u32 $0x1C00, s28;
	s30 =	sadd.s32 $0x8, s30;
	v7 =	vld [tilespmem:s26+$0x40];
	v4 =	vmul.f32 $3.125000000e-02, v4;
	[tilespmem:s29+$0x50] =	vst v5  }
0x49: {  	s4 =	sand.u32 $0x380, s31;
	s2 =	sor.u32 s3, s2;
	p0 =	slt.u32 s30, $0x3F8;
	v2 =	vmul.f32 $3.125000000e-02, v2;
	v5 =	vld [tilespmem:s26+$0x50];
	[tilespmem:s29+$0x60] =	vst v6  }
0x4a: {  	s29 =	smov.u32 s26;
	v3 =	vmul.f32 $3.125000000e-02, v3;
	v6 =	vld [tilespmem:s26+$0x60];
	[tilespmem:s26+$0x70] =	vst v4;
	s26 =	sor.u32 s4, s2  }
.Ltmp0:
0x4b: {  	v4 =	vld [tilespmem:s26+$0x70];
	[tilespmem:s29+$0x0] =	vst v2;
	v0 =	vmul.f32 $3.125000000e-02, v0;
	(pc) =	sbr.rel @p0 .LBB2_2-.Ltmp0, $4  }
0x4c: {  	v2 =	vld [tilespmem:s26+$0x0];
	[tilespmem:s29+$0x10] =	vst v3;
	v1 =	vmul.f32 $3.125000000e-02, v1  }
0x4d: {  	v3 =	vld [tilespmem:s26+$0x10];
	[tilespmem:s29+$0x20] =	vst v0;
	v7 =	vmul.f32 $3.125000000e-02, v7  }
0x4e: {  	v0 =	vld [tilespmem:s26+$0x20];
	[tilespmem:s29+$0x30] =	vst v1;
	v5 =	vmul.f32 $3.125000000e-02, v5  }
0x4f: {  	s31 =	sadd.s32 $0x10, s31;
	s28 =	sadd.s32 $0x400, s28;
	s0 =	sadd.s32 $0x80, s0;
	v1 =	vld [tilespmem:s26+$0x30];
	[tilespmem:s29+$0x40] =	vst v7;
	v6 =	vmul.f32 $3.125000000e-02, v6  }
0x50: {  	v7 =	vld [tilespmem:s26+$0x40];
	v4 =	vmul.f32 $3.125000000e-02, v4;
	[tilespmem:s29+$0x50] =	vst v5  }
0x51: {  	v5 =	vld [tilespmem:s26+$0x50];
	v2 =	vmul.f32 $3.125000000e-02, v2;
	[tilespmem:s29+$0x60] =	vst v6  }
0x52: {  	v6 =	vld [tilespmem:s26+$0x60];
	v3 =	vmul.f32 $3.125000000e-02, v3;
	[tilespmem:s26+$0x70] =	vst v4  }
0x53: {  	[tilespmem:s26+$0x0] =	vst v2;
	v0 =	vmul.f32 $3.125000000e-02, v0  }
0x54: {  	[tilespmem:s26+$0x10] =	vst v3;
	v1 =	vmul.f32 $3.125000000e-02, v1  }
0x55: {  	[tilespmem:s26+$0x20] =	vst v0;
	v0 =	vmul.f32 $3.125000000e-02, v7  }
0x56: {  	[tilespmem:s26+$0x30] =	vst v1;
	v1 =	vmul.f32 $3.125000000e-02, v5  }
0x57: {  	[tilespmem:s26+$0x40] =	vst v0;
	v0 =	vmul.f32 $3.125000000e-02, v6  }
0x58: {  	[tilespmem:s26+$0x50] =	vst v1  }
0x59: {  	[tilespmem:s26+$0x60] =	vst v0  }
0x5a: {  	s0 =	simm.s32 $0x0;
	s2 =	rddreg [dreg:$0xa]  }
0x5b: {  	[hbm4b:s2+s0] =	stream.linear.scatter [tilespmem:s0], [sflag:$0x8], $0x4000, $0x38;
	[tilespmem:$0x1C000] =	vst v63  }
0x5c: {  	_ =	swait.ge [sflag:s12], $0x4000  }
0x5d: {  	[sflag:s12] =	ssyncset.done $0x0  }
0x5e: {  	s4 =	rddreg [dreg:$0xb];
	[sflag:s12] =	ssyncadd.s32 $0xFFFFC000  }
0x5f: {  	[tilespmem:s0], [sflag:$0x1] =	stream.linear.gather [hbm4b:s4+s0], $0x4000, $0x38;
	[tilespmem:$0x1C000] =	vst v63  }
0x60: {  	s3 =	sand.u32 $0x1C00, s0;
	s26 =	sand.u32 $0x2000, s0;
	_ =	swait.ge [sflag:s13], $0x4000  }
0x61: {  	s2 =	sor.u32 s3, s26;
	s0 =	sand.u32 $0x380, s0;
	[sflag:s13] =	ssyncset.done $0x0  }
0x62: {  	s29 =	sor.u32 s0, s2;
	[sflag:s13] =	ssyncadd.s32 $0xFFFFC000  }
0x63: {  	v0 =	vld [tilespmem:s29+$0x4070]  }
0x64: {  	v1 =	vld [tilespmem:s29+$0x4000]  }
0x65: {  	v2 =	vld [tilespmem:s29+$0x4010]  }
0x66: {  	v6 =	vld [tilespmem:s29+$0x4040]  }
0x67: {  	s3 =	simm.s32 $0x400;
	s4 =	simm.s32 $0x80;
	v3 =	vld [tilespmem:s29+$0x4020]  }
0x68: {  	s26 =	simm.s32 $0x10;
	s2 =	sand.u32 $0x2000, s4;
	s0 =	sand.u32 $0x1C00, s3;
	v5 =	vld [tilespmem:s29+$0x4030];
	v0 =	vmul.f32 $3.125000000e-02, v0  }
0x69: {  	s3 =	sand.u32 $0x380, s26;
	s0 =	sor.u32 s0, s2;
	v7 =	vld [tilespmem:s29+$0x4050];
	v1 =	vmul.f32 $3.125000000e-02, v1  }
0x6a: {  	s26 =	sor.u32 s3, s0;
	v9 =	vld [tilespmem:s29+$0x4060];
	v8 =	vmul.f32 $3.125000000e-02, v2;
	[tilespmem:s29+$0x4070] =	vst v0  }
0x6b: {  	v4 =	vld [tilespmem:s26+$0x4070];
	v6 =	vmul.f32 $3.125000000e-02, v6;
	[tilespmem:s29+$0x4000] =	vst v1  }
0x6c: {  	v2 =	vld [tilespmem:s26+$0x4000];
	v0 =	vmul.f32 $3.125000000e-02, v3;
	[tilespmem:s29+$0x4010] =	vst v8  }
0x6d: {  	v1 =	vmul.f32 $3.125000000e-02, v5;
	v3 =	vld [tilespmem:s26+$0x4010];
	[tilespmem:s29+$0x4040] =	vst v6  }
0x6e: {  	s30 =	simm.s32 $0x8;
	v5 =	vmul.f32 $3.125000000e-02, v7;
	[tilespmem:s29+$0x4020] =	vst v0;
	v0 =	vld [tilespmem:s26+$0x4020]  }
0x6f: {  	s31 =	simm.s32 $0x20;
	s28 =	simm.s32 $0x800;
	s0 =	simm.s32 $0x100;
	v6 =	vmul.f32 $3.125000000e-02, v9;
	[tilespmem:s29+$0x4030] =	vst v1;
	v1 =	vld [tilespmem:s26+$0x4030]  }
.LBB2_4:
0x70: {  	s2 =	sand.u32 $0x2000, s0;
	s3 =	sand.u32 $0x1C00, s28;
	s30 =	sadd.s32 $0x8, s30;
	v7 =	vld [tilespmem:s26+$0x4040];
	v4 =	vmul.f32 $3.125000000e-02, v4;
	[tilespmem:s29+$0x4050] =	vst v5  }
0x71: {  	s4 =	sand.u32 $0x380, s31;
	s2 =	sor.u32 s3, s2;
	p0 =	slt.u32 s30, $0x3F8;
	v2 =	vmul.f32 $3.125000000e-02, v2;
	v5 =	vld [tilespmem:s26+$0x4050];
	[tilespmem:s29+$0x4060] =	vst v6  }
0x72: {  	s29 =	smov.u32 s26;
	v3 =	vmul.f32 $3.125000000e-02, v3;
	v6 =	vld [tilespmem:s26+$0x4060];
	[tilespmem:s26+$0x4070] =	vst v4;
	s26 =	sor.u32 s4, s2  }
.Ltmp1:
0x73: {  	v4 =	vld [tilespmem:s26+$0x4070];
	[tilespmem:s29+$0x4000] =	vst v2;
	v0 =	vmul.f32 $3.125000000e-02, v0;
	(pc) =	sbr.rel @p0 .LBB2_4-.Ltmp1, $4  }
0x74: {  	v2 =	vld [tilespmem:s26+$0x4000];
	[tilespmem:s29+$0x4010] =	vst v3;
	v1 =	vmul.f32 $3.125000000e-02, v1  }
0x75: {  	v3 =	vld [tilespmem:s26+$0x4010];
	[tilespmem:s29+$0x4020] =	vst v0;
	v7 =	vmul.f32 $3.125000000e-02, v7  }
0x76: {  	v0 =	vld [tilespmem:s26+$0x4020];
	[tilespmem:s29+$0x4030] =	vst v1;
	v5 =	vmul.f32 $3.125000000e-02, v5  }
0x77: {  	s31 =	sadd.s32 $0x10, s31;
	s28 =	sadd.s32 $0x400, s28;
	s0 =	sadd.s32 $0x80, s0;
	v1 =	vld [tilespmem:s26+$0x4030];
	[tilespmem:s29+$0x4040] =	vst v7;
	v6 =	vmul.f32 $3.125000000e-02, v6  }
0x78: {  	v7 =	vld [tilespmem:s26+$0x4040];
	v4 =	vmul.f32 $3.125000000e-02, v4;
	[tilespmem:s29+$0x4050] =	vst v5  }
0x79: {  	v5 =	vld [tilespmem:s26+$0x4050];
	v2 =	vmul.f32 $3.125000000e-02, v2;
	[tilespmem:s29+$0x4060] =	vst v6  }
0x7a: {  	v6 =	vld [tilespmem:s26+$0x4060];
	v3 =	vmul.f32 $3.125000000e-02, v3;
	[tilespmem:s26+$0x4070] =	vst v4  }
0x7b: {  	[tilespmem:s26+$0x4000] =	vst v2;
	v0 =	vmul.f32 $3.125000000e-02, v0  }
0x7c: {  	[tilespmem:s26+$0x4010] =	vst v3;
	v1 =	vmul.f32 $3.125000000e-02, v1  }
0x7d: {  	[tilespmem:s26+$0x4020] =	vst v0;
	v0 =	vmul.f32 $3.125000000e-02, v7  }
0x7e: {  	[tilespmem:s26+$0x4030] =	vst v1;
	v1 =	vmul.f32 $3.125000000e-02, v5  }
0x7f: {  	[tilespmem:s26+$0x4040] =	vst v0;
	v0 =	vmul.f32 $3.125000000e-02, v6  }
0x80: {  	[tilespmem:s26+$0x4050] =	vst v1  }
0x81: {  	[tilespmem:s26+$0x4060] =	vst v0  }
0x82: {  	s0 =	simm.s32 $0x0;
	s2 =	rddreg [dreg:$0xc]  }
0x83: {  	[hbm4b:s2+s0] =	stream.linear.scatter [tilespmem:s5], [sflag:$0x9], $0x4000, $0x38;
	[tilespmem:$0x1C000] =	vst v63  }
0x84: {  	_ =	swait.ge [sflag:s14], $0x4000  }
0x85: {  	[sflag:s14] =	ssyncset.done $0x0  }
0x86: {  	s4 =	rddreg [dreg:$0xd];
	[sflag:s14] =	ssyncadd.s32 $0xFFFFC000  }
0x87: {  	[tilespmem:s5], [sflag:$0x2] =	stream.linear.gather [hbm4b:s4+s0], $0x4000, $0x38;
	[tilespmem:$0x1C000] =	vst v63  }
0x88: {  	s3 =	sand.u32 $0x1C00, s0;
	s26 =	sand.u32 $0x2000, s0;
	_ =	swait.ge [sflag:s15], $0x4000  }
0x89: {  	s2 =	sor.u32 s3, s26;
	s0 =	sand.u32 $0x380, s0;
	[sflag:s15] =	ssyncset.done $0x0  }
0x8a: {  	s29 =	sor.u32 s0, s2;
	[sflag:s15] =	ssyncadd.s32 $0xFFFFC000  }
0x8b: {  	v0 =	vld [tilespmem:s29+$0x8070]  }
0x8c: {  	v1 =	vld [tilespmem:s29+$0x8000]  }
0x8d: {  	v2 =	vld [tilespmem:s29+$0x8010]  }
0x8e: {  	v6 =	vld [tilespmem:s29+$0x8040]  }
0x8f: {  	s3 =	simm.s32 $0x400;
	s4 =	simm.s32 $0x80;
	v3 =	vld [tilespmem:s29+$0x8020]  }
0x90: {  	s26 =	simm.s32 $0x10;
	s2 =	sand.u32 $0x2000, s4;
	s0 =	sand.u32 $0x1C00, s3;
	v5 =	vld [tilespmem:s29+$0x8030];
	v0 =	vmul.f32 $3.125000000e-02, v0  }
0x91: {  	s3 =	sand.u32 $0x380, s26;
	s0 =	sor.u32 s0, s2;
	v7 =	vld [tilespmem:s29+$0x8050];
	v1 =	vmul.f32 $3.125000000e-02, v1  }
0x92: {  	s26 =	sor.u32 s3, s0;
	v9 =	vld [tilespmem:s29+$0x8060];
	v8 =	vmul.f32 $3.125000000e-02, v2;
	[tilespmem:s29+$0x8070] =	vst v0  }
0x93: {  	v4 =	vld [tilespmem:s26+$0x8070];
	v6 =	vmul.f32 $3.125000000e-02, v6;
	[tilespmem:s29+$0x8000] =	vst v1  }
0x94: {  	v2 =	vld [tilespmem:s26+$0x8000];
	v0 =	vmul.f32 $3.125000000e-02, v3;
	[tilespmem:s29+$0x8010] =	vst v8  }
0x95: {  	v1 =	vmul.f32 $3.125000000e-02, v5;
	v3 =	vld [tilespmem:s26+$0x8010];
	[tilespmem:s29+$0x8040] =	vst v6  }
0x96: {  	s30 =	simm.s32 $0x8;
	v5 =	vmul.f32 $3.125000000e-02, v7;
	[tilespmem:s29+$0x8020] =	vst v0;
	v0 =	vld [tilespmem:s26+$0x8020]  }
0x97: {  	s31 =	simm.s32 $0x20;
	s28 =	simm.s32 $0x800;
	s0 =	simm.s32 $0x100;
	v6 =	vmul.f32 $3.125000000e-02, v9;
	[tilespmem:s29+$0x8030] =	vst v1;
	v1 =	vld [tilespmem:s26+$0x8030]  }
.LBB2_6:
0x98: {  	s2 =	sand.u32 $0x2000, s0;
	s3 =	sand.u32 $0x1C00, s28;
	s30 =	sadd.s32 $0x8, s30;
	v7 =	vld [tilespmem:s26+$0x8040];
	v4 =	vmul.f32 $3.125000000e-02, v4;
	[tilespmem:s29+$0x8050] =	vst v5  }
0x99: {  	s4 =	sand.u32 $0x380, s31;
	s2 =	sor.u32 s3, s2;
	p0 =	slt.u32 s30, $0x3F8;
	v2 =	vmul.f32 $3.125000000e-02, v2;
	v5 =	vld [tilespmem:s26+$0x8050];
	[tilespmem:s29+$0x8060] =	vst v6  }
0x9a: {  	s29 =	smov.u32 s26;
	v3 =	vmul.f32 $3.125000000e-02, v3;
	v6 =	vld [tilespmem:s26+$0x8060];
	[tilespmem:s26+$0x8070] =	vst v4;
	s26 =	sor.u32 s4, s2  }
.Ltmp2:
0x9b: {  	v4 =	vld [tilespmem:s26+$0x8070];
	[tilespmem:s29+$0x8000] =	vst v2;
	v0 =	vmul.f32 $3.125000000e-02, v0;
	(pc) =	sbr.rel @p0 .LBB2_6-.Ltmp2, $4  }
0x9c: {  	v2 =	vld [tilespmem:s26+$0x8000];
	[tilespmem:s29+$0x8010] =	vst v3;
	v1 =	vmul.f32 $3.125000000e-02, v1  }
0x9d: {  	v3 =	vld [tilespmem:s26+$0x8010];
	[tilespmem:s29+$0x8020] =	vst v0;
	v7 =	vmul.f32 $3.125000000e-02, v7  }
0x9e: {  	v0 =	vld [tilespmem:s26+$0x8020];
	[tilespmem:s29+$0x8030] =	vst v1;
	v5 =	vmul.f32 $3.125000000e-02, v5  }
0x9f: {  	s31 =	sadd.s32 $0x10, s31;
	s28 =	sadd.s32 $0x400, s28;
	s0 =	sadd.s32 $0x80, s0;
	v1 =	vld [tilespmem:s26+$0x8030];
	[tilespmem:s29+$0x8040] =	vst v7;
	v6 =	vmul.f32 $3.125000000e-02, v6  }
0xa0: {  	v7 =	vld [tilespmem:s26+$0x8040];
	v4 =	vmul.f32 $3.125000000e-02, v4;
	[tilespmem:s29+$0x8050] =	vst v5  }
0xa1: {  	v5 =	vld [tilespmem:s26+$0x8050];
	v2 =	vmul.f32 $3.125000000e-02, v2;
	[tilespmem:s29+$0x8060] =	vst v6  }
0xa2: {  	v6 =	vld [tilespmem:s26+$0x8060];
	v3 =	vmul.f32 $3.125000000e-02, v3;
	[tilespmem:s26+$0x8070] =	vst v4  }
0xa3: {  	[tilespmem:s26+$0x8000] =	vst v2;
	v0 =	vmul.f32 $3.125000000e-02, v0  }
0xa4: {  	[tilespmem:s26+$0x8010] =	vst v3;
	v1 =	vmul.f32 $3.125000000e-02, v1  }
0xa5: {  	[tilespmem:s26+$0x8020] =	vst v0;
	v0 =	vmul.f32 $3.125000000e-02, v7  }
0xa6: {  	[tilespmem:s26+$0x8030] =	vst v1;
	v1 =	vmul.f32 $3.125000000e-02, v5  }
0xa7: {  	[tilespmem:s26+$0x8040] =	vst v0;
	v0 =	vmul.f32 $3.125000000e-02, v6  }
0xa8: {  	[tilespmem:s26+$0x8050] =	vst v1  }
0xa9: {  	[tilespmem:s26+$0x8060] =	vst v0  }
0xaa: {  	s0 =	simm.s32 $0x0;
	s2 =	rddreg [dreg:$0xe]  }
0xab: {  	[hbm4b:s2+s0] =	stream.linear.scatter [tilespmem:s6], [sflag:$0xA], $0x4000, $0x38;
	[tilespmem:$0x1C000] =	vst v63  }
0xac: {  	_ =	swait.ge [sflag:s16], $0x4000  }
0xad: {  	[sflag:s16] =	ssyncset.done $0x0  }
0xae: {  	s4 =	rddreg [dreg:$0x15];
	[sflag:s16] =	ssyncadd.s32 $0xFFFFC000  }
0xaf: {  	[tilespmem:s6], [sflag:$0x3] =	stream.linear.gather [hbm4b:s4+s0], $0x4000, $0x38;
	[tilespmem:$0x1C000] =	vst v63  }
0xb0: {  	s3 =	sand.u32 $0x1C00, s0;
	s26 =	sand.u32 $0x2000, s0;
	_ =	swait.ge [sflag:s17], $0x4000  }
0xb1: {  	s2 =	sor.u32 s3, s26;
	s0 =	sand.u32 $0x380, s0;
	[sflag:s17] =	ssyncset.done $0x0  }
0xb2: {  	s29 =	sor.u32 s0, s2;
	[sflag:s17] =	ssyncadd.s32 $0xFFFFC000  }
0xb3: {  	v0 =	vld [tilespmem:s29+$0xC070]  }
0xb4: {  	v1 =	vld [tilespmem:s29+$0xC000]  }
0xb5: {  	v2 =	vld [tilespmem:s29+$0xC010]  }
0xb6: {  	v6 =	vld [tilespmem:s29+$0xC040]  }
0xb7: {  	s3 =	simm.s32 $0x400;
	s4 =	simm.s32 $0x80;
	v3 =	vld [tilespmem:s29+$0xC020]  }
0xb8: {  	s26 =	simm.s32 $0x10;
	s2 =	sand.u32 $0x2000, s4;
	s0 =	sand.u32 $0x1C00, s3;
	v5 =	vld [tilespmem:s29+$0xC030];
	v0 =	vmul.f32 $3.125000000e-02, v0  }
0xb9: {  	s3 =	sand.u32 $0x380, s26;
	s0 =	sor.u32 s0, s2;
	v7 =	vld [tilespmem:s29+$0xC050];
	v1 =	vmul.f32 $3.125000000e-02, v1  }
0xba: {  	s26 =	sor.u32 s3, s0;
	v9 =	vld [tilespmem:s29+$0xC060];
	v8 =	vmul.f32 $3.125000000e-02, v2;
	[tilespmem:s29+$0xC070] =	vst v0  }
0xbb: {  	v4 =	vld [tilespmem:s26+$0xC070];
	v6 =	vmul.f32 $3.125000000e-02, v6;
	[tilespmem:s29+$0xC000] =	vst v1  }
0xbc: {  	v2 =	vld [tilespmem:s26+$0xC000];
	v0 =	vmul.f32 $3.125000000e-02, v3;
	[tilespmem:s29+$0xC010] =	vst v8  }
0xbd: {  	v1 =	vmul.f32 $3.125000000e-02, v5;
	v3 =	vld [tilespmem:s26+$0xC010];
	[tilespmem:s29+$0xC040] =	vst v6  }
0xbe: {  	s30 =	simm.s32 $0x8;
	v5 =	vmul.f32 $3.125000000e-02, v7;
	[tilespmem:s29+$0xC020] =	vst v0;
	v0 =	vld [tilespmem:s26+$0xC020]  }
0xbf: {  	s31 =	simm.s32 $0x20;
	s28 =	simm.s32 $0x800;
	s0 =	simm.s32 $0x100;
	v6 =	vmul.f32 $3.125000000e-02, v9;
	[tilespmem:s29+$0xC030] =	vst v1;
	v1 =	vld [tilespmem:s26+$0xC030]  }
.LBB2_8:
0xc0: {  	s2 =	sand.u32 $0x2000, s0;
	s3 =	sand.u32 $0x1C00, s28;
	s30 =	sadd.s32 $0x8, s30;
	v7 =	vld [tilespmem:s26+$0xC040];
	v4 =	vmul.f32 $3.125000000e-02, v4;
	[tilespmem:s29+$0xC050] =	vst v5  }
0xc1: {  	s4 =	sand.u32 $0x380, s31;
	s2 =	sor.u32 s3, s2;
	p0 =	slt.u32 s30, $0x3F8;
	v2 =	vmul.f32 $3.125000000e-02, v2;
	v5 =	vld [tilespmem:s26+$0xC050];
	[tilespmem:s29+$0xC060] =	vst v6  }
0xc2: {  	s29 =	smov.u32 s26;
	v3 =	vmul.f32 $3.125000000e-02, v3;
	v6 =	vld [tilespmem:s26+$0xC060];
	[tilespmem:s26+$0xC070] =	vst v4;
	s26 =	sor.u32 s4, s2  }
.Ltmp3:
0xc3: {  	v4 =	vld [tilespmem:s26+$0xC070];
	[tilespmem:s29+$0xC000] =	vst v2;
	v0 =	vmul.f32 $3.125000000e-02, v0;
	(pc) =	sbr.rel @p0 .LBB2_8-.Ltmp3, $4  }
0xc4: {  	v2 =	vld [tilespmem:s26+$0xC000];
	[tilespmem:s29+$0xC010] =	vst v3;
	v1 =	vmul.f32 $3.125000000e-02, v1  }
0xc5: {  	v3 =	vld [tilespmem:s26+$0xC010];
	[tilespmem:s29+$0xC020] =	vst v0;
	v7 =	vmul.f32 $3.125000000e-02, v7  }
0xc6: {  	v0 =	vld [tilespmem:s26+$0xC020];
	[tilespmem:s29+$0xC030] =	vst v1;
	v5 =	vmul.f32 $3.125000000e-02, v5  }
0xc7: {  	s31 =	sadd.s32 $0x10, s31;
	s28 =	sadd.s32 $0x400, s28;
	s0 =	sadd.s32 $0x80, s0;
	v1 =	vld [tilespmem:s26+$0xC030];
	[tilespmem:s29+$0xC040] =	vst v7;
	v6 =	vmul.f32 $3.125000000e-02, v6  }
0xc8: {  	v7 =	vld [tilespmem:s26+$0xC040];
	v4 =	vmul.f32 $3.125000000e-02, v4;
	[tilespmem:s29+$0xC050] =	vst v5  }
0xc9: {  	v5 =	vld [tilespmem:s26+$0xC050];
	v2 =	vmul.f32 $3.125000000e-02, v2;
	[tilespmem:s29+$0xC060] =	vst v6  }
0xca: {  	v6 =	vld [tilespmem:s26+$0xC060];
	v3 =	vmul.f32 $3.125000000e-02, v3;
	[tilespmem:s26+$0xC070] =	vst v4  }
0xcb: {  	[tilespmem:s26+$0xC000] =	vst v2;
	v0 =	vmul.f32 $3.125000000e-02, v0  }
0xcc: {  	[tilespmem:s26+$0xC010] =	vst v3;
	v1 =	vmul.f32 $3.125000000e-02, v1  }
0xcd: {  	[tilespmem:s26+$0xC020] =	vst v0;
	v0 =	vmul.f32 $3.125000000e-02, v7  }
0xce: {  	[tilespmem:s26+$0xC030] =	vst v1;
	v1 =	vmul.f32 $3.125000000e-02, v5  }
0xcf: {  	[tilespmem:s26+$0xC040] =	vst v0;
	v0 =	vmul.f32 $3.125000000e-02, v6  }
0xd0: {  	[tilespmem:s26+$0xC050] =	vst v1  }
0xd1: {  	[tilespmem:s26+$0xC060] =	vst v0  }
0xd2: {  	s0 =	simm.s32 $0x0;
	s2 =	rddreg [dreg:$0xf]  }
0xd3: {  	[hbm4b:s2+s0] =	stream.linear.scatter [tilespmem:s7], [sflag:$0xB], $0x4000, $0x38;
	[tilespmem:$0x1C000] =	vst v63  }
0xd4: {  	_ =	swait.ge [sflag:s18], $0x4000  }
0xd5: {  	[sflag:s18] =	ssyncset.done $0x0  }
0xd6: {  	s4 =	rddreg [dreg:$0x16];
	[sflag:s18] =	ssyncadd.s32 $0xFFFFC000  }
0xd7: {  	[tilespmem:s7], [sflag:$0x4] =	stream.linear.gather [hbm4b:s4+s0], $0x4000, $0x38;
	[tilespmem:$0x1C000] =	vst v63  }
0xd8: {  	s3 =	sand.u32 $0x1C00, s0;
	s26 =	sand.u32 $0x2000, s0;
	_ =	swait.ge [sflag:s19], $0x4000  }
0xd9: {  	s2 =	sor.u32 s3, s26;
	s0 =	sand.u32 $0x380, s0;
	[sflag:s19] =	ssyncset.done $0x0  }
0xda: {  	s29 =	sor.u32 s0, s2;
	[sflag:s19] =	ssyncadd.s32 $0xFFFFC000  }
0xdb: {  	v0 =	vld [tilespmem:s29+$0x10070]  }
0xdc: {  	v1 =	vld [tilespmem:s29+$0x10000]  }
0xdd: {  	v2 =	vld [tilespmem:s29+$0x10010]  }
0xde: {  	v6 =	vld [tilespmem:s29+$0x10040]  }
0xdf: {  	s3 =	simm.s32 $0x400;
	s4 =	simm.s32 $0x80;
	v3 =	vld [tilespmem:s29+$0x10020]  }
0xe0: {  	s26 =	simm.s32 $0x10;
	s2 =	sand.u32 $0x2000, s4;
	s0 =	sand.u32 $0x1C00, s3;
	v5 =	vld [tilespmem:s29+$0x10030];
	v0 =	vmul.f32 $3.125000000e-02, v0  }
0xe1: {  	s3 =	sand.u32 $0x380, s26;
	s0 =	sor.u32 s0, s2;
	v7 =	vld [tilespmem:s29+$0x10050];
	v1 =	vmul.f32 $3.125000000e-02, v1  }
0xe2: {  	s26 =	sor.u32 s3, s0;
	v9 =	vld [tilespmem:s29+$0x10060];
	v8 =	vmul.f32 $3.125000000e-02, v2;
	[tilespmem:s29+$0x10070] =	vst v0  }
0xe3: {  	v4 =	vld [tilespmem:s26+$0x10070];
	v6 =	vmul.f32 $3.125000000e-02, v6;
	[tilespmem:s29+$0x10000] =	vst v1  }
0xe4: {  	v2 =	vld [tilespmem:s26+$0x10000];
	v0 =	vmul.f32 $3.125000000e-02, v3;
	[tilespmem:s29+$0x10010] =	vst v8  }
0xe5: {  	v1 =	vmul.f32 $3.125000000e-02, v5;
	v3 =	vld [tilespmem:s26+$0x10010];
	[tilespmem:s29+$0x10040] =	vst v6  }
0xe6: {  	s30 =	simm.s32 $0x8;
	v5 =	vmul.f32 $3.125000000e-02, v7;
	[tilespmem:s29+$0x10020] =	vst v0;
	v0 =	vld [tilespmem:s26+$0x10020]  }
0xe7: {  	s31 =	simm.s32 $0x20;
	s28 =	simm.s32 $0x800;
	s0 =	simm.s32 $0x100;
	v6 =	vmul.f32 $3.125000000e-02, v9;
	[tilespmem:s29+$0x10030] =	vst v1;
	v1 =	vld [tilespmem:s26+$0x10030]  }
.LBB2_10:
0xe8: {  	s2 =	sand.u32 $0x2000, s0;
	s3 =	sand.u32 $0x1C00, s28;
	s30 =	sadd.s32 $0x8, s30;
	v7 =	vld [tilespmem:s26+$0x10040];
	v4 =	vmul.f32 $3.125000000e-02, v4;
	[tilespmem:s29+$0x10050] =	vst v5  }
0xe9: {  	s4 =	sand.u32 $0x380, s31;
	s2 =	sor.u32 s3, s2;
	p0 =	slt.u32 s30, $0x3F8;
	v2 =	vmul.f32 $3.125000000e-02, v2;
	v5 =	vld [tilespmem:s26+$0x10050];
	[tilespmem:s29+$0x10060] =	vst v6  }
0xea: {  	s29 =	smov.u32 s26;
	v3 =	vmul.f32 $3.125000000e-02, v3;
	v6 =	vld [tilespmem:s26+$0x10060];
	[tilespmem:s26+$0x10070] =	vst v4;
	s26 =	sor.u32 s4, s2  }
.Ltmp4:
0xeb: {  	v4 =	vld [tilespmem:s26+$0x10070];
	[tilespmem:s29+$0x10000] =	vst v2;
	v0 =	vmul.f32 $3.125000000e-02, v0;
	(pc) =	sbr.rel @p0 .LBB2_10-.Ltmp4, $4  }
0xec: {  	v2 =	vld [tilespmem:s26+$0x10000];
	[tilespmem:s29+$0x10010] =	vst v3;
	v1 =	vmul.f32 $3.125000000e-02, v1  }
0xed: {  	v3 =	vld [tilespmem:s26+$0x10010];
	[tilespmem:s29+$0x10020] =	vst v0;
	v7 =	vmul.f32 $3.125000000e-02, v7  }
0xee: {  	v0 =	vld [tilespmem:s26+$0x10020];
	[tilespmem:s29+$0x10030] =	vst v1;
	v5 =	vmul.f32 $3.125000000e-02, v5  }
0xef: {  	s31 =	sadd.s32 $0x10, s31;
	s28 =	sadd.s32 $0x400, s28;
	s0 =	sadd.s32 $0x80, s0;
	v1 =	vld [tilespmem:s26+$0x10030];
	[tilespmem:s29+$0x10040] =	vst v7;
	v6 =	vmul.f32 $3.125000000e-02, v6  }
0xf0: {  	v7 =	vld [tilespmem:s26+$0x10040];
	v4 =	vmul.f32 $3.125000000e-02, v4;
	[tilespmem:s29+$0x10050] =	vst v5  }
0xf1: {  	v5 =	vld [tilespmem:s26+$0x10050];
	v2 =	vmul.f32 $3.125000000e-02, v2;
	[tilespmem:s29+$0x10060] =	vst v6  }
0xf2: {  	v6 =	vld [tilespmem:s26+$0x10060];
	v3 =	vmul.f32 $3.125000000e-02, v3;
	[tilespmem:s26+$0x10070] =	vst v4  }
0xf3: {  	[tilespmem:s26+$0x10000] =	vst v2;
	v0 =	vmul.f32 $3.125000000e-02, v0  }
0xf4: {  	[tilespmem:s26+$0x10010] =	vst v3;
	v1 =	vmul.f32 $3.125000000e-02, v1  }
0xf5: {  	[tilespmem:s26+$0x10020] =	vst v0;
	v0 =	vmul.f32 $3.125000000e-02, v7  }
0xf6: {  	[tilespmem:s26+$0x10030] =	vst v1;
	v1 =	vmul.f32 $3.125000000e-02, v5  }
0xf7: {  	[tilespmem:s26+$0x10040] =	vst v0;
	v0 =	vmul.f32 $3.125000000e-02, v6  }
0xf8: {  	[tilespmem:s26+$0x10050] =	vst v1  }
0xf9: {  	[tilespmem:s26+$0x10060] =	vst v0  }
0xfa: {  	s0 =	simm.s32 $0x0;
	s2 =	rddreg [dreg:$0x10]  }
0xfb: {  	[hbm4b:s2+s0] =	stream.linear.scatter [tilespmem:s8], [sflag:$0xC], $0x4000, $0x38;
	[tilespmem:$0x1C000] =	vst v63  }
0xfc: {  	_ =	swait.ge [sflag:s20], $0x4000  }
0xfd: {  	[sflag:s20] =	ssyncset.done $0x0  }
0xfe: {  	s4 =	rddreg [dreg:$0x17];
	[sflag:s20] =	ssyncadd.s32 $0xFFFFC000  }
0xff: {  	[tilespmem:s8], [sflag:$0x5] =	stream.linear.gather [hbm4b:s4+s0], $0x4000, $0x38;
	[tilespmem:$0x1C000] =	vst v63  }
0x100: {  	s3 =	sand.u32 $0x1C00, s0;
	s26 =	sand.u32 $0x2000, s0;
	_ =	swait.ge [sflag:s21], $0x4000  }
0x101: {  	s2 =	sor.u32 s3, s26;
	s0 =	sand.u32 $0x380, s0;
	[sflag:s21] =	ssyncset.done $0x0  }
0x102: {  	s29 =	sor.u32 s0, s2;
	[sflag:s21] =	ssyncadd.s32 $0xFFFFC000  }
0x103: {  	v0 =	vld [tilespmem:s29+$0x14070]  }
0x104: {  	v1 =	vld [tilespmem:s29+$0x14000]  }
0x105: {  	v2 =	vld [tilespmem:s29+$0x14010]  }
0x106: {  	v6 =	vld [tilespmem:s29+$0x14040]  }
0x107: {  	s3 =	simm.s32 $0x400;
	s4 =	simm.s32 $0x80;
	v3 =	vld [tilespmem:s29+$0x14020]  }
0x108: {  	s26 =	simm.s32 $0x10;
	s2 =	sand.u32 $0x2000, s4;
	s0 =	sand.u32 $0x1C00, s3;
	v5 =	vld [tilespmem:s29+$0x14030];
	v0 =	vmul.f32 $3.125000000e-02, v0  }
0x109: {  	s3 =	sand.u32 $0x380, s26;
	s0 =	sor.u32 s0, s2;
	v7 =	vld [tilespmem:s29+$0x14050];
	v1 =	vmul.f32 $3.125000000e-02, v1  }
0x10a: {  	s26 =	sor.u32 s3, s0;
	v9 =	vld [tilespmem:s29+$0x14060];
	v8 =	vmul.f32 $3.125000000e-02, v2;
	[tilespmem:s29+$0x14070] =	vst v0  }
0x10b: {  	v4 =	vld [tilespmem:s26+$0x14070];
	v6 =	vmul.f32 $3.125000000e-02, v6;
	[tilespmem:s29+$0x14000] =	vst v1  }
0x10c: {  	v2 =	vld [tilespmem:s26+$0x14000];
	v0 =	vmul.f32 $3.125000000e-02, v3;
	[tilespmem:s29+$0x14010] =	vst v8  }
0x10d: {  	v1 =	vmul.f32 $3.125000000e-02, v5;
	v3 =	vld [tilespmem:s26+$0x14010];
	[tilespmem:s29+$0x14040] =	vst v6  }
0x10e: {  	s30 =	simm.s32 $0x8;
	v5 =	vmul.f32 $3.125000000e-02, v7;
	[tilespmem:s29+$0x14020] =	vst v0;
	v0 =	vld [tilespmem:s26+$0x14020]  }
0x10f: {  	s31 =	simm.s32 $0x20;
	s28 =	simm.s32 $0x800;
	s0 =	simm.s32 $0x100;
	v6 =	vmul.f32 $3.125000000e-02, v9;
	[tilespmem:s29+$0x14030] =	vst v1;
	v1 =	vld [tilespmem:s26+$0x14030]  }
.LBB2_12:
0x110: {  	s2 =	sand.u32 $0x2000, s0;
	s3 =	sand.u32 $0x1C00, s28;
	s30 =	sadd.s32 $0x8, s30;
	v7 =	vld [tilespmem:s26+$0x14040];
	v4 =	vmul.f32 $3.125000000e-02, v4;
	[tilespmem:s29+$0x14050] =	vst v5  }
0x111: {  	s4 =	sand.u32 $0x380, s31;
	s2 =	sor.u32 s3, s2;
	p0 =	slt.u32 s30, $0x3F8;
	v2 =	vmul.f32 $3.125000000e-02, v2;
	v5 =	vld [tilespmem:s26+$0x14050];
	[tilespmem:s29+$0x14060] =	vst v6  }
0x112: {  	s29 =	smov.u32 s26;
	v3 =	vmul.f32 $3.125000000e-02, v3;
	v6 =	vld [tilespmem:s26+$0x14060];
	[tilespmem:s26+$0x14070] =	vst v4;
	s26 =	sor.u32 s4, s2  }
.Ltmp5:
0x113: {  	v4 =	vld [tilespmem:s26+$0x14070];
	[tilespmem:s29+$0x14000] =	vst v2;
	v0 =	vmul.f32 $3.125000000e-02, v0;
	(pc) =	sbr.rel @p0 .LBB2_12-.Ltmp5, $4  }
0x114: {  	v2 =	vld [tilespmem:s26+$0x14000];
	[tilespmem:s29+$0x14010] =	vst v3;
	v1 =	vmul.f32 $3.125000000e-02, v1  }
0x115: {  	v3 =	vld [tilespmem:s26+$0x14010];
	[tilespmem:s29+$0x14020] =	vst v0;
	v7 =	vmul.f32 $3.125000000e-02, v7  }
0x116: {  	v0 =	vld [tilespmem:s26+$0x14020];
	[tilespmem:s29+$0x14030] =	vst v1;
	v5 =	vmul.f32 $3.125000000e-02, v5  }
0x117: {  	s31 =	sadd.s32 $0x10, s31;
	s28 =	sadd.s32 $0x400, s28;
	s0 =	sadd.s32 $0x80, s0;
	v1 =	vld [tilespmem:s26+$0x14030];
	[tilespmem:s29+$0x14040] =	vst v7;
	v6 =	vmul.f32 $3.125000000e-02, v6  }
0x118: {  	v7 =	vld [tilespmem:s26+$0x14040];
	v4 =	vmul.f32 $3.125000000e-02, v4;
	[tilespmem:s29+$0x14050] =	vst v5  }
0x119: {  	v5 =	vld [tilespmem:s26+$0x14050];
	v2 =	vmul.f32 $3.125000000e-02, v2;
	[tilespmem:s29+$0x14060] =	vst v6  }
0x11a: {  	v6 =	vld [tilespmem:s26+$0x14060];
	v3 =	vmul.f32 $3.125000000e-02, v3;
	[tilespmem:s26+$0x14070] =	vst v4  }
0x11b: {  	[tilespmem:s26+$0x14000] =	vst v2;
	v0 =	vmul.f32 $3.125000000e-02, v0  }
0x11c: {  	[tilespmem:s26+$0x14010] =	vst v3;
	v1 =	vmul.f32 $3.125000000e-02, v1  }
0x11d: {  	[tilespmem:s26+$0x14020] =	vst v0;
	v0 =	vmul.f32 $3.125000000e-02, v7  }
0x11e: {  	[tilespmem:s26+$0x14030] =	vst v1;
	v1 =	vmul.f32 $3.125000000e-02, v5  }
0x11f: {  	[tilespmem:s26+$0x14040] =	vst v0;
	v0 =	vmul.f32 $3.125000000e-02, v6  }
0x120: {  	[tilespmem:s26+$0x14050] =	vst v1  }
0x121: {  	[tilespmem:s26+$0x14060] =	vst v0  }
0x122: {  	s0 =	simm.s32 $0x0;
	s2 =	rddreg [dreg:$0x11]  }
0x123: {  	[hbm4b:s2+s0] =	stream.linear.scatter [tilespmem:s9], [sflag:$0xD], $0x4000, $0x38;
	[tilespmem:$0x1C000] =	vst v63  }
0x124: {  	_ =	swait.ge [sflag:s22], $0x4000  }
0x125: {  	[sflag:s22] =	ssyncset.done $0x0  }
0x126: {  	s4 =	rddreg [dreg:$0x18];
	[sflag:s22] =	ssyncadd.s32 $0xFFFFC000  }
0x127: {  	[tilespmem:s9], [sflag:$0x6] =	stream.linear.gather [hbm4b:s4+s0], $0x4000, $0x38;
	[tilespmem:$0x1C000] =	vst v63  }
0x128: {  	s3 =	sand.u32 $0x1C00, s0;
	s26 =	sand.u32 $0x2000, s0;
	_ =	swait.ge [sflag:s23], $0x4000  }
0x129: {  	s2 =	sor.u32 s3, s26;
	s0 =	sand.u32 $0x380, s0;
	[sflag:s23] =	ssyncset.done $0x0  }
0x12a: {  	s29 =	sor.u32 s0, s2;
	[sflag:s23] =	ssyncadd.s32 $0xFFFFC000  }
0x12b: {  	v0 =	vld [tilespmem:s29+$0x18070]  }
0x12c: {  	v1 =	vld [tilespmem:s29+$0x18000]  }
0x12d: {  	v2 =	vld [tilespmem:s29+$0x18010]  }
0x12e: {  	v6 =	vld [tilespmem:s29+$0x18040]  }
0x12f: {  	s3 =	simm.s32 $0x400;
	s4 =	simm.s32 $0x80;
	v3 =	vld [tilespmem:s29+$0x18020]  }
0x130: {  	s26 =	simm.s32 $0x10;
	s2 =	sand.u32 $0x2000, s4;
	s0 =	sand.u32 $0x1C00, s3;
	v5 =	vld [tilespmem:s29+$0x18030];
	v0 =	vmul.f32 $3.125000000e-02, v0  }
0x131: {  	s3 =	sand.u32 $0x380, s26;
	s0 =	sor.u32 s0, s2;
	v7 =	vld [tilespmem:s29+$0x18050];
	v1 =	vmul.f32 $3.125000000e-02, v1  }
0x132: {  	s26 =	sor.u32 s3, s0;
	v9 =	vld [tilespmem:s29+$0x18060];
	v8 =	vmul.f32 $3.125000000e-02, v2;
	[tilespmem:s29+$0x18070] =	vst v0  }
0x133: {  	v4 =	vld [tilespmem:s26+$0x18070];
	v6 =	vmul.f32 $3.125000000e-02, v6;
	[tilespmem:s29+$0x18000] =	vst v1  }
0x134: {  	v2 =	vld [tilespmem:s26+$0x18000];
	v0 =	vmul.f32 $3.125000000e-02, v3;
	[tilespmem:s29+$0x18010] =	vst v8  }
0x135: {  	v1 =	vmul.f32 $3.125000000e-02, v5;
	v3 =	vld [tilespmem:s26+$0x18010];
	[tilespmem:s29+$0x18040] =	vst v6  }
0x136: {  	s30 =	simm.s32 $0x8;
	v5 =	vmul.f32 $3.125000000e-02, v7;
	[tilespmem:s29+$0x18020] =	vst v0;
	v0 =	vld [tilespmem:s26+$0x18020]  }
0x137: {  	s31 =	simm.s32 $0x20;
	s28 =	simm.s32 $0x800;
	s0 =	simm.s32 $0x100;
	v6 =	vmul.f32 $3.125000000e-02, v9;
	[tilespmem:s29+$0x18030] =	vst v1;
	v1 =	vld [tilespmem:s26+$0x18030]  }
.LBB2_14:
0x138: {  	s2 =	sand.u32 $0x2000, s0;
	s3 =	sand.u32 $0x1C00, s28;
	s30 =	sadd.s32 $0x8, s30;
	v7 =	vld [tilespmem:s26+$0x18040];
	v4 =	vmul.f32 $3.125000000e-02, v4;
	[tilespmem:s29+$0x18050] =	vst v5  }
0x139: {  	s4 =	sand.u32 $0x380, s31;
	s2 =	sor.u32 s3, s2;
	p0 =	slt.u32 s30, $0x3F8;
	v2 =	vmul.f32 $3.125000000e-02, v2;
	v5 =	vld [tilespmem:s26+$0x18050];
	[tilespmem:s29+$0x18060] =	vst v6  }
0x13a: {  	s29 =	smov.u32 s26;
	v3 =	vmul.f32 $3.125000000e-02, v3;
	v6 =	vld [tilespmem:s26+$0x18060];
	[tilespmem:s26+$0x18070] =	vst v4;
	s26 =	sor.u32 s4, s2  }
.Ltmp6:
0x13b: {  	v4 =	vld [tilespmem:s26+$0x18070];
	[tilespmem:s29+$0x18000] =	vst v2;
	v0 =	vmul.f32 $3.125000000e-02, v0;
	(pc) =	sbr.rel @p0 .LBB2_14-.Ltmp6, $4  }
0x13c: {  	v2 =	vld [tilespmem:s26+$0x18000];
	[tilespmem:s29+$0x18010] =	vst v3;
	v1 =	vmul.f32 $3.125000000e-02, v1  }
0x13d: {  	v3 =	vld [tilespmem:s26+$0x18010];
	[tilespmem:s29+$0x18020] =	vst v0;
	v7 =	vmul.f32 $3.125000000e-02, v7  }
0x13e: {  	v0 =	vld [tilespmem:s26+$0x18020];
	[tilespmem:s29+$0x18030] =	vst v1;
	v5 =	vmul.f32 $3.125000000e-02, v5  }
0x13f: {  	s31 =	sadd.s32 $0x10, s31;
	s28 =	sadd.s32 $0x400, s28;
	s0 =	sadd.s32 $0x80, s0;
	v1 =	vld [tilespmem:s26+$0x18030];
	[tilespmem:s29+$0x18040] =	vst v7;
	v6 =	vmul.f32 $3.125000000e-02, v6  }
0x140: {  	v7 =	vld [tilespmem:s26+$0x18040];
	v4 =	vmul.f32 $3.125000000e-02, v4;
	[tilespmem:s29+$0x18050] =	vst v5  }
0x141: {  	v5 =	vld [tilespmem:s26+$0x18050];
	v2 =	vmul.f32 $3.125000000e-02, v2;
	[tilespmem:s29+$0x18060] =	vst v6  }
0x142: {  	v6 =	vld [tilespmem:s26+$0x18060];
	v3 =	vmul.f32 $3.125000000e-02, v3;
	[tilespmem:s26+$0x18070] =	vst v4  }
0x143: {  	[tilespmem:s26+$0x18000] =	vst v2;
	v0 =	vmul.f32 $3.125000000e-02, v0  }
0x144: {  	[tilespmem:s26+$0x18010] =	vst v3;
	v1 =	vmul.f32 $3.125000000e-02, v1  }
0x145: {  	[tilespmem:s26+$0x18020] =	vst v0;
	v0 =	vmul.f32 $3.125000000e-02, v7  }
0x146: {  	[tilespmem:s26+$0x18030] =	vst v1;
	v1 =	vmul.f32 $3.125000000e-02, v5  }
0x147: {  	[tilespmem:s26+$0x18040] =	vst v0;
	v0 =	vmul.f32 $3.125000000e-02, v6  }
0x148: {  	[tilespmem:s26+$0x18050] =	vst v1  }
0x149: {  	[tilespmem:s26+$0x18060] =	vst v0  }
0x14a: {  	s0 =	simm.s32 $0x0;
	s2 =	rddreg [dreg:$0x12]  }
0x14b: {  	[hbm4b:s2+s0] =	stream.linear.scatter [tilespmem:s10], [sflag:$0xE], $0x4000, $0x38;
	[tilespmem:$0x1C000] =	vst v63  }
0x14c: {  	_ =	swait.ge [sflag:s24], $0x4000  }
0x14d: {  	[sflag:s24] =	ssyncset.done $0x0  }
0x14e: {  	s4 =	rddreg [dreg:$0x19];
	[sflag:s24] =	ssyncadd.s32 $0xFFFFC000  }
0x14f: {  	[tilespmem:s10], [sflag:$0x7] =	stream.linear.gather [hbm4b:s4+s0], $0x4000, $0x38;
	[tilespmem:$0x1C000] =	vst v63  }
0x150: {  	s3 =	sand.u32 $0x1C00, s0;
	s26 =	sand.u32 $0x2000, s0;
	_ =	swait.ge [sflag:s11], $0x4000  }
0x151: {  	s2 =	sor.u32 s3, s26;
	s0 =	sand.u32 $0x380, s0;
	[sflag:s11] =	ssyncset.done $0x0  }
0x152: {  	s29 =	sor.u32 s0, s2;
	[sflag:s11] =	ssyncadd.s32 $0xFFFFC000  }
0x153: {  	v0 =	vld [tilespmem:s29+$0x70]  }
0x154: {  	v1 =	vld [tilespmem:s29+$0x0]  }
0x155: {  	v2 =	vld [tilespmem:s29+$0x10]  }
0x156: {  	v6 =	vld [tilespmem:s29+$0x40]  }
0x157: {  	s3 =	simm.s32 $0x400;
	s4 =	simm.s32 $0x80;
	v3 =	vld [tilespmem:s29+$0x20]  }
0x158: {  	s26 =	simm.s32 $0x10;
	s2 =	sand.u32 $0x2000, s4;
	s0 =	sand.u32 $0x1C00, s3;
	v5 =	vld [tilespmem:s29+$0x30];
	v0 =	vmul.f32 $3.125000000e-02, v0  }
0x159: {  	s3 =	sand.u32 $0x380, s26;
	s0 =	sor.u32 s0, s2;
	v7 =	vld [tilespmem:s29+$0x50];
	v1 =	vmul.f32 $3.125000000e-02, v1  }
0x15a: {  	s26 =	sor.u32 s3, s0;
	v9 =	vld [tilespmem:s29+$0x60];
	v8 =	vmul.f32 $3.125000000e-02, v2;
	[tilespmem:s29+$0x70] =	vst v0  }
0x15b: {  	v4 =	vld [tilespmem:s26+$0x70];
	v6 =	vmul.f32 $3.125000000e-02, v6;
	[tilespmem:s29+$0x0] =	vst v1  }
0x15c: {  	v2 =	vld [tilespmem:s26+$0x0];
	v0 =	vmul.f32 $3.125000000e-02, v3;
	[tilespmem:s29+$0x10] =	vst v8  }
0x15d: {  	v1 =	vmul.f32 $3.125000000e-02, v5;
	v3 =	vld [tilespmem:s26+$0x10];
	[tilespmem:s29+$0x40] =	vst v6  }
0x15e: {  	s30 =	simm.s32 $0x8;
	v5 =	vmul.f32 $3.125000000e-02, v7;
	[tilespmem:s29+$0x20] =	vst v0;
	v0 =	vld [tilespmem:s26+$0x20]  }
0x15f: {  	s31 =	simm.s32 $0x20;
	s28 =	simm.s32 $0x800;
	s0 =	simm.s32 $0x100;
	v6 =	vmul.f32 $3.125000000e-02, v9;
	[tilespmem:s29+$0x30] =	vst v1;
	v1 =	vld [tilespmem:s26+$0x30]  }
.LBB2_16:
0x160: {  	s2 =	sand.u32 $0x2000, s0;
	s3 =	sand.u32 $0x1C00, s28;
	s30 =	sadd.s32 $0x8, s30;
	v7 =	vld [tilespmem:s26+$0x40];
	v4 =	vmul.f32 $3.125000000e-02, v4;
	[tilespmem:s29+$0x50] =	vst v5  }
0x161: {  	s4 =	sand.u32 $0x380, s31;
	s2 =	sor.u32 s3, s2;
	p0 =	slt.u32 s30, $0x3F8;
	v2 =	vmul.f32 $3.125000000e-02, v2;
	v5 =	vld [tilespmem:s26+$0x50];
	[tilespmem:s29+$0x60] =	vst v6  }
0x162: {  	s29 =	smov.u32 s26;
	v3 =	vmul.f32 $3.125000000e-02, v3;
	v6 =	vld [tilespmem:s26+$0x60];
	[tilespmem:s26+$0x70] =	vst v4;
	s26 =	sor.u32 s4, s2  }
.Ltmp7:
0x163: {  	v4 =	vld [tilespmem:s26+$0x70];
	[tilespmem:s29+$0x0] =	vst v2;
	v0 =	vmul.f32 $3.125000000e-02, v0;
	(pc) =	sbr.rel @p0 .LBB2_16-.Ltmp7, $4  }
0x164: {  	v2 =	vld [tilespmem:s26+$0x0];
	[tilespmem:s29+$0x10] =	vst v3;
	v1 =	vmul.f32 $3.125000000e-02, v1  }
0x165: {  	v3 =	vld [tilespmem:s26+$0x10];
	[tilespmem:s29+$0x20] =	vst v0;
	v7 =	vmul.f32 $3.125000000e-02, v7  }
0x166: {  	v0 =	vld [tilespmem:s26+$0x20];
	[tilespmem:s29+$0x30] =	vst v1;
	v5 =	vmul.f32 $3.125000000e-02, v5  }
0x167: {  	s31 =	sadd.s32 $0x10, s31;
	s28 =	sadd.s32 $0x400, s28;
	s0 =	sadd.s32 $0x80, s0;
	v1 =	vld [tilespmem:s26+$0x30];
	[tilespmem:s29+$0x40] =	vst v7;
	v6 =	vmul.f32 $3.125000000e-02, v6  }
0x168: {  	v7 =	vld [tilespmem:s26+$0x40];
	v4 =	vmul.f32 $3.125000000e-02, v4;
	[tilespmem:s29+$0x50] =	vst v5  }
0x169: {  	v5 =	vld [tilespmem:s26+$0x50];
	v2 =	vmul.f32 $3.125000000e-02, v2;
	[tilespmem:s29+$0x60] =	vst v6  }
0x16a: {  	v6 =	vld [tilespmem:s26+$0x60];
	v3 =	vmul.f32 $3.125000000e-02, v3;
	[tilespmem:s26+$0x70] =	vst v4  }
0x16b: {  	[tilespmem:s26+$0x0] =	vst v2;
	v0 =	vmul.f32 $3.125000000e-02, v0  }
0x16c: {  	[tilespmem:s26+$0x10] =	vst v3;
	v1 =	vmul.f32 $3.125000000e-02, v1  }
0x16d: {  	[tilespmem:s26+$0x20] =	vst v0;
	v0 =	vmul.f32 $3.125000000e-02, v7  }
0x16e: {  	[tilespmem:s26+$0x30] =	vst v1;
	v1 =	vmul.f32 $3.125000000e-02, v5  }
0x16f: {  	[tilespmem:s26+$0x40] =	vst v0;
	v0 =	vmul.f32 $3.125000000e-02, v6  }
0x170: {  	[tilespmem:s26+$0x50] =	vst v1  }
0x171: {  	[tilespmem:s26+$0x60] =	vst v0  }
0x172: {  	s0 =	simm.s32 $0x0;
	s2 =	rddreg [dreg:$0x13]  }
0x173: {  	[hbm4b:s2+s0] =	stream.linear.scatter [tilespmem:s0], [sflag:$0x8], $0x4000, $0x38;
	[tilespmem:$0x1C000] =	vst v63  }
0x174: {  	_ =	swait.ge [sflag:s12], $0x4000  }
0x175: {  	[sflag:s12] =	ssyncset.done $0x0  }
0x176: {  	s4 =	rddreg [dreg:$0x1a];
	[sflag:s12] =	ssyncadd.s32 $0xFFFFC000  }
0x177: {  	[tilespmem:s0], [sflag:$0x1] =	stream.linear.gather [hbm4b:s4+s0], $0x4000, $0x38;
	[tilespmem:$0x1C000] =	vst v63  }
0x178: {  	s3 =	sand.u32 $0x1C00, s0;
	s26 =	sand.u32 $0x2000, s0;
	_ =	swait.ge [sflag:s13], $0x4000  }
0x179: {  	s2 =	sor.u32 s3, s26;
	s0 =	sand.u32 $0x380, s0;
	[sflag:s13] =	ssyncset.done $0x0  }
0x17a: {  	s29 =	sor.u32 s0, s2;
	[sflag:s13] =	ssyncadd.s32 $0xFFFFC000  }
0x17b: {  	v0 =	vld [tilespmem:s29+$0x4070]  }
0x17c: {  	v1 =	vld [tilespmem:s29+$0x4000]  }
0x17d: {  	v2 =	vld [tilespmem:s29+$0x4010]  }
0x17e: {  	v6 =	vld [tilespmem:s29+$0x4040]  }
0x17f: {  	s3 =	simm.s32 $0x400;
	s4 =	simm.s32 $0x80;
	v3 =	vld [tilespmem:s29+$0x4020]  }
0x180: {  	s26 =	simm.s32 $0x10;
	s2 =	sand.u32 $0x2000, s4;
	s0 =	sand.u32 $0x1C00, s3;
	v5 =	vld [tilespmem:s29+$0x4030];
	v0 =	vmul.f32 $3.125000000e-02, v0  }
0x181: {  	s3 =	sand.u32 $0x380, s26;
	s0 =	sor.u32 s0, s2;
	v7 =	vld [tilespmem:s29+$0x4050];
	v1 =	vmul.f32 $3.125000000e-02, v1  }
0x182: {  	s26 =	sor.u32 s3, s0;
	v9 =	vld [tilespmem:s29+$0x4060];
	v8 =	vmul.f32 $3.125000000e-02, v2;
	[tilespmem:s29+$0x4070] =	vst v0  }
0x183: {  	v4 =	vld [tilespmem:s26+$0x4070];
	v6 =	vmul.f32 $3.125000000e-02, v6;
	[tilespmem:s29+$0x4000] =	vst v1  }
0x184: {  	v2 =	vld [tilespmem:s26+$0x4000];
	v0 =	vmul.f32 $3.125000000e-02, v3;
	[tilespmem:s29+$0x4010] =	vst v8  }
0x185: {  	v1 =	vmul.f32 $3.125000000e-02, v5;
	v3 =	vld [tilespmem:s26+$0x4010];
	[tilespmem:s29+$0x4040] =	vst v6  }
0x186: {  	s30 =	simm.s32 $0x8;
	v5 =	vmul.f32 $3.125000000e-02, v7;
	[tilespmem:s29+$0x4020] =	vst v0;
	v0 =	vld [tilespmem:s26+$0x4020]  }
0x187: {  	s31 =	simm.s32 $0x20;
	s28 =	simm.s32 $0x800;
	s0 =	simm.s32 $0x100;
	v6 =	vmul.f32 $3.125000000e-02, v9;
	[tilespmem:s29+$0x4030] =	vst v1;
	v1 =	vld [tilespmem:s26+$0x4030]  }
.LBB2_18:
0x188: {  	s2 =	sand.u32 $0x2000, s0;
	s3 =	sand.u32 $0x1C00, s28;
	s30 =	sadd.s32 $0x8, s30;
	v7 =	vld [tilespmem:s26+$0x4040];
	v4 =	vmul.f32 $3.125000000e-02, v4;
	[tilespmem:s29+$0x4050] =	vst v5  }
0x189: {  	s4 =	sand.u32 $0x380, s31;
	s2 =	sor.u32 s3, s2;
	p0 =	slt.u32 s30, $0x3F8;
	v2 =	vmul.f32 $3.125000000e-02, v2;
	v5 =	vld [tilespmem:s26+$0x4050];
	[tilespmem:s29+$0x4060] =	vst v6  }
0x18a: {  	s29 =	smov.u32 s26;
	v3 =	vmul.f32 $3.125000000e-02, v3;
	v6 =	vld [tilespmem:s26+$0x4060];
	[tilespmem:s26+$0x4070] =	vst v4;
	s26 =	sor.u32 s4, s2  }
.Ltmp8:
0x18b: {  	v4 =	vld [tilespmem:s26+$0x4070];
	[tilespmem:s29+$0x4000] =	vst v2;
	v0 =	vmul.f32 $3.125000000e-02, v0;
	(pc) =	sbr.rel @p0 .LBB2_18-.Ltmp8, $4  }
0x18c: {  	v2 =	vld [tilespmem:s26+$0x4000];
	[tilespmem:s29+$0x4010] =	vst v3;
	v1 =	vmul.f32 $3.125000000e-02, v1  }
0x18d: {  	v3 =	vld [tilespmem:s26+$0x4010];
	[tilespmem:s29+$0x4020] =	vst v0;
	v7 =	vmul.f32 $3.125000000e-02, v7  }
0x18e: {  	v0 =	vld [tilespmem:s26+$0x4020];
	[tilespmem:s29+$0x4030] =	vst v1;
	v5 =	vmul.f32 $3.125000000e-02, v5  }
0x18f: {  	s31 =	sadd.s32 $0x10, s31;
	s28 =	sadd.s32 $0x400, s28;
	s0 =	sadd.s32 $0x80, s0;
	v1 =	vld [tilespmem:s26+$0x4030];
	[tilespmem:s29+$0x4040] =	vst v7;
	v6 =	vmul.f32 $3.125000000e-02, v6  }
0x190: {  	v7 =	vld [tilespmem:s26+$0x4040];
	v4 =	vmul.f32 $3.125000000e-02, v4;
	[tilespmem:s29+$0x4050] =	vst v5  }
0x191: {  	v5 =	vld [tilespmem:s26+$0x4050];
	v2 =	vmul.f32 $3.125000000e-02, v2;
	[tilespmem:s29+$0x4060] =	vst v6  }
0x192: {  	v6 =	vld [tilespmem:s26+$0x4060];
	v3 =	vmul.f32 $3.125000000e-02, v3;
	[tilespmem:s26+$0x4070] =	vst v4  }
0x193: {  	[tilespmem:s26+$0x4000] =	vst v2;
	v0 =	vmul.f32 $3.125000000e-02, v0  }
0x194: {  	[tilespmem:s26+$0x4010] =	vst v3;
	v1 =	vmul.f32 $3.125000000e-02, v1  }
0x195: {  	[tilespmem:s26+$0x4020] =	vst v0;
	v0 =	vmul.f32 $3.125000000e-02, v7  }
0x196: {  	[tilespmem:s26+$0x4030] =	vst v1;
	v1 =	vmul.f32 $3.125000000e-02, v5  }
0x197: {  	[tilespmem:s26+$0x4040] =	vst v0;
	v0 =	vmul.f32 $3.125000000e-02, v6  }
0x198: {  	[tilespmem:s26+$0x4050] =	vst v1  }
0x199: {  	[tilespmem:s26+$0x4060] =	vst v0  }
0x19a: {  	s0 =	simm.s32 $0x0;
	s2 =	rddreg [dreg:$0x14]  }
0x19b: {  	[hbm4b:s2+s0] =	stream.linear.scatter [tilespmem:s5], [sflag:$0x9], $0x4000, $0x38;
	[tilespmem:$0x1C000] =	vst v63  }
0x19c: {  	_ =	swait.ge [sflag:s14], $0x4000  }
0x19d: {  	[sflag:s14] =	ssyncset.done $0x0  }
0x19e: {  	s4 =	rddreg [dreg:$0x1b];
	[sflag:s14] =	ssyncadd.s32 $0xFFFFC000  }
0x19f: {  	[tilespmem:s5], [sflag:$0x2] =	stream.linear.gather [hbm4b:s4+s0], $0x4000, $0x38;
	[tilespmem:$0x1C000] =	vst v63  }
0x1a0: {  	s3 =	sand.u32 $0x1C00, s0;
	s26 =	sand.u32 $0x2000, s0;
	_ =	swait.ge [sflag:s15], $0x4000  }
0x1a1: {  	s2 =	sor.u32 s3, s26;
	s0 =	sand.u32 $0x380, s0;
	[sflag:s15] =	ssyncset.done $0x0  }
0x1a2: {  	s29 =	sor.u32 s0, s2;
	[sflag:s15] =	ssyncadd.s32 $0xFFFFC000  }
0x1a3: {  	v0 =	vld [tilespmem:s29+$0x8070]  }
0x1a4: {  	v1 =	vld [tilespmem:s29+$0x8000]  }
0x1a5: {  	v2 =	vld [tilespmem:s29+$0x8010]  }
0x1a6: {  	v6 =	vld [tilespmem:s29+$0x8040]  }
0x1a7: {  	s3 =	simm.s32 $0x400;
	s4 =	simm.s32 $0x80;
	v3 =	vld [tilespmem:s29+$0x8020]  }
0x1a8: {  	s26 =	simm.s32 $0x10;
	s2 =	sand.u32 $0x2000, s4;
	s0 =	sand.u32 $0x1C00, s3;
	v5 =	vld [tilespmem:s29+$0x8030];
	v0 =	vmul.f32 $3.125000000e-02, v0  }
0x1a9: {  	s3 =	sand.u32 $0x380, s26;
	s0 =	sor.u32 s0, s2;
	v7 =	vld [tilespmem:s29+$0x8050];
	v1 =	vmul.f32 $3.125000000e-02, v1  }
0x1aa: {  	s26 =	sor.u32 s3, s0;
	v9 =	vld [tilespmem:s29+$0x8060];
	v8 =	vmul.f32 $3.125000000e-02, v2;
	[tilespmem:s29+$0x8070] =	vst v0  }
0x1ab: {  	v4 =	vld [tilespmem:s26+$0x8070];
	v6 =	vmul.f32 $3.125000000e-02, v6;
	[tilespmem:s29+$0x8000] =	vst v1  }
0x1ac: {  	v2 =	vld [tilespmem:s26+$0x8000];
	v0 =	vmul.f32 $3.125000000e-02, v3;
	[tilespmem:s29+$0x8010] =	vst v8  }
0x1ad: {  	v1 =	vmul.f32 $3.125000000e-02, v5;
	v3 =	vld [tilespmem:s26+$0x8010];
	[tilespmem:s29+$0x8040] =	vst v6  }
0x1ae: {  	s30 =	simm.s32 $0x8;
	v5 =	vmul.f32 $3.125000000e-02, v7;
	[tilespmem:s29+$0x8020] =	vst v0;
	v0 =	vld [tilespmem:s26+$0x8020]  }
0x1af: {  	s31 =	simm.s32 $0x20;
	s28 =	simm.s32 $0x800;
	s0 =	simm.s32 $0x100;
	v6 =	vmul.f32 $3.125000000e-02, v9;
	[tilespmem:s29+$0x8030] =	vst v1;
	v1 =	vld [tilespmem:s26+$0x8030]  }
.LBB2_20:
0x1b0: {  	s2 =	sand.u32 $0x2000, s0;
	s3 =	sand.u32 $0x1C00, s28;
	s30 =	sadd.s32 $0x8, s30;
	v7 =	vld [tilespmem:s26+$0x8040];
	v4 =	vmul.f32 $3.125000000e-02, v4;
	[tilespmem:s29+$0x8050] =	vst v5  }
0x1b1: {  	s4 =	sand.u32 $0x380, s31;
	s2 =	sor.u32 s3, s2;
	p0 =	slt.u32 s30, $0x3F8;
	v2 =	vmul.f32 $3.125000000e-02, v2;
	v5 =	vld [tilespmem:s26+$0x8050];
	[tilespmem:s29+$0x8060] =	vst v6  }
0x1b2: {  	s29 =	smov.u32 s26;
	v3 =	vmul.f32 $3.125000000e-02, v3;
	v6 =	vld [tilespmem:s26+$0x8060];
	[tilespmem:s26+$0x8070] =	vst v4;
	s26 =	sor.u32 s4, s2  }
.Ltmp9:
0x1b3: {  	v4 =	vld [tilespmem:s26+$0x8070];
	[tilespmem:s29+$0x8000] =	vst v2;
	v0 =	vmul.f32 $3.125000000e-02, v0;
	(pc) =	sbr.rel @p0 .LBB2_20-.Ltmp9, $4  }
0x1b4: {  	v2 =	vld [tilespmem:s26+$0x8000];
	[tilespmem:s29+$0x8010] =	vst v3;
	v1 =	vmul.f32 $3.125000000e-02, v1  }
0x1b5: {  	v3 =	vld [tilespmem:s26+$0x8010];
	[tilespmem:s29+$0x8020] =	vst v0;
	v7 =	vmul.f32 $3.125000000e-02, v7  }
0x1b6: {  	v0 =	vld [tilespmem:s26+$0x8020];
	[tilespmem:s29+$0x8030] =	vst v1;
	v5 =	vmul.f32 $3.125000000e-02, v5  }
0x1b7: {  	s31 =	sadd.s32 $0x10, s31;
	s28 =	sadd.s32 $0x400, s28;
	s0 =	sadd.s32 $0x80, s0;
	v1 =	vld [tilespmem:s26+$0x8030];
	[tilespmem:s29+$0x8040] =	vst v7;
	v6 =	vmul.f32 $3.125000000e-02, v6  }
0x1b8: {  	v7 =	vld [tilespmem:s26+$0x8040];
	v4 =	vmul.f32 $3.125000000e-02, v4;
	[tilespmem:s29+$0x8050] =	vst v5  }
0x1b9: {  	v5 =	vld [tilespmem:s26+$0x8050];
	v2 =	vmul.f32 $3.125000000e-02, v2;
	[tilespmem:s29+$0x8060] =	vst v6  }
0x1ba: {  	v6 =	vld [tilespmem:s26+$0x8060];
	v3 =	vmul.f32 $3.125000000e-02, v3;
	[tilespmem:s26+$0x8070] =	vst v4  }
0x1bb: {  	[tilespmem:s26+$0x8000] =	vst v2;
	v0 =	vmul.f32 $3.125000000e-02, v0  }
0x1bc: {  	[tilespmem:s26+$0x8010] =	vst v3;
	v1 =	vmul.f32 $3.125000000e-02, v1  }
0x1bd: {  	[tilespmem:s26+$0x8020] =	vst v0;
	v0 =	vmul.f32 $3.125000000e-02, v7  }
0x1be: {  	[tilespmem:s26+$0x8030] =	vst v1;
	v1 =	vmul.f32 $3.125000000e-02, v5  }
0x1bf: {  	[tilespmem:s26+$0x8040] =	vst v0;
	v0 =	vmul.f32 $3.125000000e-02, v6  }
0x1c0: {  	[tilespmem:s26+$0x8050] =	vst v1  }
0x1c1: {  	[tilespmem:s26+$0x8060] =	vst v0  }
0x1c2: {  	s0 =	simm.s32 $0x0;
	s2 =	rddreg [dreg:$0x1c]  }
0x1c3: {  	[hbm4b:s2+s0] =	stream.linear.scatter [tilespmem:s6], [sflag:$0xA], $0x4000, $0x38;
	[tilespmem:$0x1C000] =	vst v63  }
0x1c4: {  	s3 =	sand.u32 $0x1C00, s0;
	s26 =	sand.u32 $0x2000, s0;
	_ =	swait.ge [sflag:s17], $0x4000  }
0x1c5: {  	s0 =	sand.u32 $0x380, s0;
	s2 =	sor.u32 s3, s26;
	[sflag:s17] =	ssyncset.done $0x0  }
0x1c6: {  	s29 =	sor.u32 s0, s2;
	[sflag:s17] =	ssyncadd.s32 $0xFFFFC000  }
0x1c7: {  	v0 =	vld [tilespmem:s29+$0xC070]  }
0x1c8: {  	v1 =	vld [tilespmem:s29+$0xC000]  }
0x1c9: {  	v2 =	vld [tilespmem:s29+$0xC010]  }
0x1ca: {  	v6 =	vld [tilespmem:s29+$0xC040]  }
0x1cb: {  	s4 =	simm.s32 $0x80;
	s3 =	simm.s32 $0x400;
	v3 =	vld [tilespmem:s29+$0xC020]  }
0x1cc: {  	s26 =	simm.s32 $0x10;
	s2 =	sand.u32 $0x2000, s4;
	s0 =	sand.u32 $0x1C00, s3;
	v5 =	vld [tilespmem:s29+$0xC030];
	v0 =	vmul.f32 $3.125000000e-02, v0  }
0x1cd: {  	s3 =	sand.u32 $0x380, s26;
	s0 =	sor.u32 s0, s2;
	v7 =	vld [tilespmem:s29+$0xC050];
	v1 =	vmul.f32 $3.125000000e-02, v1  }
0x1ce: {  	s26 =	sor.u32 s3, s0;
	v9 =	vld [tilespmem:s29+$0xC060];
	v8 =	vmul.f32 $3.125000000e-02, v2;
	[tilespmem:s29+$0xC070] =	vst v0  }
0x1cf: {  	v4 =	vld [tilespmem:s26+$0xC070];
	v6 =	vmul.f32 $3.125000000e-02, v6;
	[tilespmem:s29+$0xC000] =	vst v1  }
0x1d0: {  	v2 =	vld [tilespmem:s26+$0xC000];
	v0 =	vmul.f32 $3.125000000e-02, v3;
	[tilespmem:s29+$0xC010] =	vst v8  }
0x1d1: {  	v1 =	vmul.f32 $3.125000000e-02, v5;
	v3 =	vld [tilespmem:s26+$0xC010];
	[tilespmem:s29+$0xC040] =	vst v6  }
0x1d2: {  	s30 =	simm.s32 $0x8;
	v5 =	vmul.f32 $3.125000000e-02, v7;
	[tilespmem:s29+$0xC020] =	vst v0;
	v0 =	vld [tilespmem:s26+$0xC020]  }
0x1d3: {  	s31 =	simm.s32 $0x20;
	s28 =	simm.s32 $0x800;
	s0 =	simm.s32 $0x100;
	v6 =	vmul.f32 $3.125000000e-02, v9;
	[tilespmem:s29+$0xC030] =	vst v1;
	v1 =	vld [tilespmem:s26+$0xC030]  }
.LBB2_22:
0x1d4: {  	s2 =	sand.u32 $0x2000, s0;
	s3 =	sand.u32 $0x1C00, s28;
	s30 =	sadd.s32 $0x8, s30;
	v7 =	vld [tilespmem:s26+$0xC040];
	v4 =	vmul.f32 $3.125000000e-02, v4;
	[tilespmem:s29+$0xC050] =	vst v5  }
0x1d5: {  	s4 =	sand.u32 $0x380, s31;
	s2 =	sor.u32 s3, s2;
	p0 =	slt.u32 s30, $0x3F8;
	v2 =	vmul.f32 $3.125000000e-02, v2;
	v5 =	vld [tilespmem:s26+$0xC050];
	[tilespmem:s29+$0xC060] =	vst v6  }
0x1d6: {  	s29 =	smov.u32 s26;
	v3 =	vmul.f32 $3.125000000e-02, v3;
	v6 =	vld [tilespmem:s26+$0xC060];
	[tilespmem:s26+$0xC070] =	vst v4;
	s26 =	sor.u32 s4, s2  }
.Ltmp10:
0x1d7: {  	v4 =	vld [tilespmem:s26+$0xC070];
	[tilespmem:s29+$0xC000] =	vst v2;
	v0 =	vmul.f32 $3.125000000e-02, v0;
	(pc) =	sbr.rel @p0 .LBB2_22-.Ltmp10, $4  }
0x1d8: {  	v2 =	vld [tilespmem:s26+$0xC000];
	[tilespmem:s29+$0xC010] =	vst v3;
	v1 =	vmul.f32 $3.125000000e-02, v1  }
0x1d9: {  	v3 =	vld [tilespmem:s26+$0xC010];
	[tilespmem:s29+$0xC020] =	vst v0;
	v7 =	vmul.f32 $3.125000000e-02, v7  }
0x1da: {  	v0 =	vld [tilespmem:s26+$0xC020];
	[tilespmem:s29+$0xC030] =	vst v1;
	v5 =	vmul.f32 $3.125000000e-02, v5  }
0x1db: {  	s31 =	sadd.s32 $0x10, s31;
	s28 =	sadd.s32 $0x400, s28;
	s0 =	sadd.s32 $0x80, s0;
	v1 =	vld [tilespmem:s26+$0xC030];
	[tilespmem:s29+$0xC040] =	vst v7;
	v6 =	vmul.f32 $3.125000000e-02, v6  }
0x1dc: {  	v7 =	vld [tilespmem:s26+$0xC040];
	v4 =	vmul.f32 $3.125000000e-02, v4;
	[tilespmem:s29+$0xC050] =	vst v5  }
0x1dd: {  	v5 =	vld [tilespmem:s26+$0xC050];
	v2 =	vmul.f32 $3.125000000e-02, v2;
	[tilespmem:s29+$0xC060] =	vst v6  }
0x1de: {  	v6 =	vld [tilespmem:s26+$0xC060];
	v3 =	vmul.f32 $3.125000000e-02, v3;
	[tilespmem:s26+$0xC070] =	vst v4  }
0x1df: {  	[tilespmem:s26+$0xC000] =	vst v2;
	v0 =	vmul.f32 $3.125000000e-02, v0  }
0x1e0: {  	[tilespmem:s26+$0xC010] =	vst v3;
	v1 =	vmul.f32 $3.125000000e-02, v1  }
0x1e1: {  	[tilespmem:s26+$0xC020] =	vst v0;
	v0 =	vmul.f32 $3.125000000e-02, v7  }
0x1e2: {  	[tilespmem:s26+$0xC030] =	vst v1;
	v1 =	vmul.f32 $3.125000000e-02, v5  }
0x1e3: {  	[tilespmem:s26+$0xC040] =	vst v0;
	v0 =	vmul.f32 $3.125000000e-02, v6  }
0x1e4: {  	[tilespmem:s26+$0xC050] =	vst v1  }
0x1e5: {  	[tilespmem:s26+$0xC060] =	vst v0  }
0x1e6: {  	s0 =	simm.s32 $0x0;
	s2 =	rddreg [dreg:$0x1d]  }
0x1e7: {  	[hbm4b:s2+s0] =	stream.linear.scatter [tilespmem:s7], [sflag:$0xB], $0x4000, $0x38;
	[tilespmem:$0x1C000] =	vst v63  }
0x1e8: {  	s3 =	sand.u32 $0x1C00, s0;
	s26 =	sand.u32 $0x2000, s0;
	_ =	swait.ge [sflag:s19], $0x4000  }
0x1e9: {  	s0 =	sand.u32 $0x380, s0;
	s2 =	sor.u32 s3, s26;
	[sflag:s19] =	ssyncset.done $0x0  }
0x1ea: {  	s29 =	sor.u32 s0, s2;
	[sflag:s19] =	ssyncadd.s32 $0xFFFFC000  }
0x1eb: {  	v0 =	vld [tilespmem:s29+$0x10070]  }
0x1ec: {  	v1 =	vld [tilespmem:s29+$0x10000]  }
0x1ed: {  	v2 =	vld [tilespmem:s29+$0x10010]  }
0x1ee: {  	v6 =	vld [tilespmem:s29+$0x10040]  }
0x1ef: {  	s4 =	simm.s32 $0x80;
	s3 =	simm.s32 $0x400;
	v3 =	vld [tilespmem:s29+$0x10020]  }
0x1f0: {  	s26 =	simm.s32 $0x10;
	s2 =	sand.u32 $0x2000, s4;
	s0 =	sand.u32 $0x1C00, s3;
	v5 =	vld [tilespmem:s29+$0x10030];
	v0 =	vmul.f32 $3.125000000e-02, v0  }
0x1f1: {  	s3 =	sand.u32 $0x380, s26;
	s0 =	sor.u32 s0, s2;
	v7 =	vld [tilespmem:s29+$0x10050];
	v1 =	vmul.f32 $3.125000000e-02, v1  }
0x1f2: {  	s26 =	sor.u32 s3, s0;
	v9 =	vld [tilespmem:s29+$0x10060];
	v8 =	vmul.f32 $3.125000000e-02, v2;
	[tilespmem:s29+$0x10070] =	vst v0  }
0x1f3: {  	v4 =	vld [tilespmem:s26+$0x10070];
	v6 =	vmul.f32 $3.125000000e-02, v6;
	[tilespmem:s29+$0x10000] =	vst v1  }
0x1f4: {  	v2 =	vld [tilespmem:s26+$0x10000];
	v0 =	vmul.f32 $3.125000000e-02, v3;
	[tilespmem:s29+$0x10010] =	vst v8  }
0x1f5: {  	v1 =	vmul.f32 $3.125000000e-02, v5;
	v3 =	vld [tilespmem:s26+$0x10010];
	[tilespmem:s29+$0x10040] =	vst v6  }
0x1f6: {  	s30 =	simm.s32 $0x8;
	v5 =	vmul.f32 $3.125000000e-02, v7;
	[tilespmem:s29+$0x10020] =	vst v0;
	v0 =	vld [tilespmem:s26+$0x10020]  }
0x1f7: {  	s31 =	simm.s32 $0x20;
	s28 =	simm.s32 $0x800;
	s0 =	simm.s32 $0x100;
	v6 =	vmul.f32 $3.125000000e-02, v9;
	[tilespmem:s29+$0x10030] =	vst v1;
	v1 =	vld [tilespmem:s26+$0x10030]  }
.LBB2_24:
0x1f8: {  	s2 =	sand.u32 $0x2000, s0;
	s3 =	sand.u32 $0x1C00, s28;
	s30 =	sadd.s32 $0x8, s30;
	v7 =	vld [tilespmem:s26+$0x10040];
	v4 =	vmul.f32 $3.125000000e-02, v4;
	[tilespmem:s29+$0x10050] =	vst v5  }
0x1f9: {  	s4 =	sand.u32 $0x380, s31;
	s2 =	sor.u32 s3, s2;
	p0 =	slt.u32 s30, $0x3F8;
	v2 =	vmul.f32 $3.125000000e-02, v2;
	v5 =	vld [tilespmem:s26+$0x10050];
	[tilespmem:s29+$0x10060] =	vst v6  }
0x1fa: {  	s29 =	smov.u32 s26;
	v3 =	vmul.f32 $3.125000000e-02, v3;
	v6 =	vld [tilespmem:s26+$0x10060];
	[tilespmem:s26+$0x10070] =	vst v4;
	s26 =	sor.u32 s4, s2  }
.Ltmp11:
0x1fb: {  	v4 =	vld [tilespmem:s26+$0x10070];
	[tilespmem:s29+$0x10000] =	vst v2;
	v0 =	vmul.f32 $3.125000000e-02, v0;
	(pc) =	sbr.rel @p0 .LBB2_24-.Ltmp11, $4  }
0x1fc: {  	v2 =	vld [tilespmem:s26+$0x10000];
	[tilespmem:s29+$0x10010] =	vst v3;
	v1 =	vmul.f32 $3.125000000e-02, v1  }
0x1fd: {  	v3 =	vld [tilespmem:s26+$0x10010];
	[tilespmem:s29+$0x10020] =	vst v0;
	v7 =	vmul.f32 $3.125000000e-02, v7  }
0x1fe: {  	v0 =	vld [tilespmem:s26+$0x10020];
	[tilespmem:s29+$0x10030] =	vst v1;
	v5 =	vmul.f32 $3.125000000e-02, v5  }
0x1ff: {  	s31 =	sadd.s32 $0x10, s31;
	s28 =	sadd.s32 $0x400, s28;
	s0 =	sadd.s32 $0x80, s0;
	v1 =	vld [tilespmem:s26+$0x10030];
	[tilespmem:s29+$0x10040] =	vst v7;
	v6 =	vmul.f32 $3.125000000e-02, v6  }
0x200: {  	v7 =	vld [tilespmem:s26+$0x10040];
	v4 =	vmul.f32 $3.125000000e-02, v4;
	[tilespmem:s29+$0x10050] =	vst v5  }
0x201: {  	v5 =	vld [tilespmem:s26+$0x10050];
	v2 =	vmul.f32 $3.125000000e-02, v2;
	[tilespmem:s29+$0x10060] =	vst v6  }
0x202: {  	v6 =	vld [tilespmem:s26+$0x10060];
	v3 =	vmul.f32 $3.125000000e-02, v3;
	[tilespmem:s26+$0x10070] =	vst v4  }
0x203: {  	[tilespmem:s26+$0x10000] =	vst v2;
	v0 =	vmul.f32 $3.125000000e-02, v0  }
0x204: {  	[tilespmem:s26+$0x10010] =	vst v3;
	v1 =	vmul.f32 $3.125000000e-02, v1  }
0x205: {  	[tilespmem:s26+$0x10020] =	vst v0;
	v0 =	vmul.f32 $3.125000000e-02, v7  }
0x206: {  	[tilespmem:s26+$0x10030] =	vst v1;
	v1 =	vmul.f32 $3.125000000e-02, v5  }
0x207: {  	[tilespmem:s26+$0x10040] =	vst v0;
	v0 =	vmul.f32 $3.125000000e-02, v6  }
0x208: {  	[tilespmem:s26+$0x10050] =	vst v1  }
0x209: {  	[tilespmem:s26+$0x10060] =	vst v0  }
0x20a: {  	s0 =	simm.s32 $0x0;
	s2 =	rddreg [dreg:$0x1e]  }
0x20b: {  	[hbm4b:s2+s0] =	stream.linear.scatter [tilespmem:s8], [sflag:$0xC], $0x4000, $0x38;
	[tilespmem:$0x1C000] =	vst v63  }
0x20c: {  	s3 =	sand.u32 $0x1C00, s0;
	s26 =	sand.u32 $0x2000, s0;
	_ =	swait.ge [sflag:s21], $0x4000  }
0x20d: {  	s0 =	sand.u32 $0x380, s0;
	s2 =	sor.u32 s3, s26;
	[sflag:s21] =	ssyncset.done $0x0  }
0x20e: {  	s29 =	sor.u32 s0, s2;
	[sflag:s21] =	ssyncadd.s32 $0xFFFFC000  }
0x20f: {  	v0 =	vld [tilespmem:s29+$0x14070]  }
0x210: {  	v1 =	vld [tilespmem:s29+$0x14000]  }
0x211: {  	v2 =	vld [tilespmem:s29+$0x14010]  }
0x212: {  	v6 =	vld [tilespmem:s29+$0x14040]  }
0x213: {  	s4 =	simm.s32 $0x80;
	s3 =	simm.s32 $0x400;
	v3 =	vld [tilespmem:s29+$0x14020]  }
0x214: {  	s26 =	simm.s32 $0x10;
	s2 =	sand.u32 $0x2000, s4;
	s0 =	sand.u32 $0x1C00, s3;
	v5 =	vld [tilespmem:s29+$0x14030];
	v0 =	vmul.f32 $3.125000000e-02, v0  }
0x215: {  	s3 =	sand.u32 $0x380, s26;
	s0 =	sor.u32 s0, s2;
	v7 =	vld [tilespmem:s29+$0x14050];
	v1 =	vmul.f32 $3.125000000e-02, v1  }
0x216: {  	s26 =	sor.u32 s3, s0;
	v9 =	vld [tilespmem:s29+$0x14060];
	v8 =	vmul.f32 $3.125000000e-02, v2;
	[tilespmem:s29+$0x14070] =	vst v0  }
0x217: {  	v4 =	vld [tilespmem:s26+$0x14070];
	v6 =	vmul.f32 $3.125000000e-02, v6;
	[tilespmem:s29+$0x14000] =	vst v1  }
0x218: {  	v2 =	vld [tilespmem:s26+$0x14000];
	v0 =	vmul.f32 $3.125000000e-02, v3;
	[tilespmem:s29+$0x14010] =	vst v8  }
0x219: {  	v1 =	vmul.f32 $3.125000000e-02, v5;
	v3 =	vld [tilespmem:s26+$0x14010];
	[tilespmem:s29+$0x14040] =	vst v6  }
0x21a: {  	s30 =	simm.s32 $0x8;
	v5 =	vmul.f32 $3.125000000e-02, v7;
	[tilespmem:s29+$0x14020] =	vst v0;
	v0 =	vld [tilespmem:s26+$0x14020]  }
0x21b: {  	s31 =	simm.s32 $0x20;
	s28 =	simm.s32 $0x800;
	s0 =	simm.s32 $0x100;
	v6 =	vmul.f32 $3.125000000e-02, v9;
	[tilespmem:s29+$0x14030] =	vst v1;
	v1 =	vld [tilespmem:s26+$0x14030]  }
.LBB2_26:
0x21c: {  	s2 =	sand.u32 $0x2000, s0;
	s3 =	sand.u32 $0x1C00, s28;
	s30 =	sadd.s32 $0x8, s30;
	v7 =	vld [tilespmem:s26+$0x14040];
	v4 =	vmul.f32 $3.125000000e-02, v4;
	[tilespmem:s29+$0x14050] =	vst v5  }
0x21d: {  	s4 =	sand.u32 $0x380, s31;
	s2 =	sor.u32 s3, s2;
	p0 =	slt.u32 s30, $0x3F8;
	v2 =	vmul.f32 $3.125000000e-02, v2;
	v5 =	vld [tilespmem:s26+$0x14050];
	[tilespmem:s29+$0x14060] =	vst v6  }
0x21e: {  	s29 =	smov.u32 s26;
	v3 =	vmul.f32 $3.125000000e-02, v3;
	v6 =	vld [tilespmem:s26+$0x14060];
	[tilespmem:s26+$0x14070] =	vst v4;
	s26 =	sor.u32 s4, s2  }
.Ltmp12:
0x21f: {  	v4 =	vld [tilespmem:s26+$0x14070];
	[tilespmem:s29+$0x14000] =	vst v2;
	v0 =	vmul.f32 $3.125000000e-02, v0;
	(pc) =	sbr.rel @p0 .LBB2_26-.Ltmp12, $4  }
0x220: {  	v2 =	vld [tilespmem:s26+$0x14000];
	[tilespmem:s29+$0x14010] =	vst v3;
	v1 =	vmul.f32 $3.125000000e-02, v1  }
0x221: {  	v3 =	vld [tilespmem:s26+$0x14010];
	[tilespmem:s29+$0x14020] =	vst v0;
	v7 =	vmul.f32 $3.125000000e-02, v7  }
0x222: {  	v0 =	vld [tilespmem:s26+$0x14020];
	[tilespmem:s29+$0x14030] =	vst v1;
	v5 =	vmul.f32 $3.125000000e-02, v5  }
0x223: {  	s31 =	sadd.s32 $0x10, s31;
	s28 =	sadd.s32 $0x400, s28;
	s0 =	sadd.s32 $0x80, s0;
	v1 =	vld [tilespmem:s26+$0x14030];
	[tilespmem:s29+$0x14040] =	vst v7;
	v6 =	vmul.f32 $3.125000000e-02, v6  }
0x224: {  	v7 =	vld [tilespmem:s26+$0x14040];
	v4 =	vmul.f32 $3.125000000e-02, v4;
	[tilespmem:s29+$0x14050] =	vst v5  }
0x225: {  	v5 =	vld [tilespmem:s26+$0x14050];
	v2 =	vmul.f32 $3.125000000e-02, v2;
	[tilespmem:s29+$0x14060] =	vst v6  }
0x226: {  	v6 =	vld [tilespmem:s26+$0x14060];
	v3 =	vmul.f32 $3.125000000e-02, v3;
	[tilespmem:s26+$0x14070] =	vst v4  }
0x227: {  	[tilespmem:s26+$0x14000] =	vst v2;
	v0 =	vmul.f32 $3.125000000e-02, v0  }
0x228: {  	[tilespmem:s26+$0x14010] =	vst v3;
	v1 =	vmul.f32 $3.125000000e-02, v1  }
0x229: {  	[tilespmem:s26+$0x14020] =	vst v0;
	v0 =	vmul.f32 $3.125000000e-02, v7  }
0x22a: {  	[tilespmem:s26+$0x14030] =	vst v1;
	v1 =	vmul.f32 $3.125000000e-02, v5  }
0x22b: {  	[tilespmem:s26+$0x14040] =	vst v0;
	v0 =	vmul.f32 $3.125000000e-02, v6  }
0x22c: {  	[tilespmem:s26+$0x14050] =	vst v1  }
0x22d: {  	[tilespmem:s26+$0x14060] =	vst v0  }
0x22e: {  	s0 =	simm.s32 $0x0;
	s2 =	rddreg [dreg:$0x1f]  }
0x22f: {  	[hbm4b:s2+s0] =	stream.linear.scatter [tilespmem:s9], [sflag:$0xD], $0x4000, $0x38;
	[tilespmem:$0x1C000] =	vst v63  }
0x230: {  	s3 =	sand.u32 $0x1C00, s0;
	s26 =	sand.u32 $0x2000, s0;
	_ =	swait.ge [sflag:s23], $0x4000  }
0x231: {  	s0 =	sand.u32 $0x380, s0;
	s2 =	sor.u32 s3, s26;
	[sflag:s23] =	ssyncset.done $0x0  }
0x232: {  	s29 =	sor.u32 s0, s2;
	[sflag:s23] =	ssyncadd.s32 $0xFFFFC000  }
0x233: {  	v0 =	vld [tilespmem:s29+$0x18070]  }
0x234: {  	v1 =	vld [tilespmem:s29+$0x18000]  }
0x235: {  	v2 =	vld [tilespmem:s29+$0x18010]  }
0x236: {  	v6 =	vld [tilespmem:s29+$0x18040]  }
0x237: {  	s4 =	simm.s32 $0x80;
	s3 =	simm.s32 $0x400;
	v3 =	vld [tilespmem:s29+$0x18020]  }
0x238: {  	s26 =	simm.s32 $0x10;
	s2 =	sand.u32 $0x2000, s4;
	s0 =	sand.u32 $0x1C00, s3;
	v5 =	vld [tilespmem:s29+$0x18030];
	v0 =	vmul.f32 $3.125000000e-02, v0  }
0x239: {  	s3 =	sand.u32 $0x380, s26;
	s0 =	sor.u32 s0, s2;
	v7 =	vld [tilespmem:s29+$0x18050];
	v1 =	vmul.f32 $3.125000000e-02, v1  }
0x23a: {  	s26 =	sor.u32 s3, s0;
	v9 =	vld [tilespmem:s29+$0x18060];
	v8 =	vmul.f32 $3.125000000e-02, v2;
	[tilespmem:s29+$0x18070] =	vst v0  }
0x23b: {  	v4 =	vld [tilespmem:s26+$0x18070];
	v6 =	vmul.f32 $3.125000000e-02, v6;
	[tilespmem:s29+$0x18000] =	vst v1  }
0x23c: {  	v2 =	vld [tilespmem:s26+$0x18000];
	v0 =	vmul.f32 $3.125000000e-02, v3;
	[tilespmem:s29+$0x18010] =	vst v8  }
0x23d: {  	v1 =	vmul.f32 $3.125000000e-02, v5;
	v3 =	vld [tilespmem:s26+$0x18010];
	[tilespmem:s29+$0x18040] =	vst v6  }
0x23e: {  	s30 =	simm.s32 $0x8;
	v5 =	vmul.f32 $3.125000000e-02, v7;
	[tilespmem:s29+$0x18020] =	vst v0;
	v0 =	vld [tilespmem:s26+$0x18020]  }
0x23f: {  	s31 =	simm.s32 $0x20;
	s28 =	simm.s32 $0x800;
	s0 =	simm.s32 $0x100;
	v6 =	vmul.f32 $3.125000000e-02, v9;
	[tilespmem:s29+$0x18030] =	vst v1;
	v1 =	vld [tilespmem:s26+$0x18030]  }
.LBB2_28:
0x240: {  	s2 =	sand.u32 $0x2000, s0;
	s3 =	sand.u32 $0x1C00, s28;
	s30 =	sadd.s32 $0x8, s30;
	v7 =	vld [tilespmem:s26+$0x18040];
	v4 =	vmul.f32 $3.125000000e-02, v4;
	[tilespmem:s29+$0x18050] =	vst v5  }
0x241: {  	s4 =	sand.u32 $0x380, s31;
	s2 =	sor.u32 s3, s2;
	p0 =	slt.u32 s30, $0x3F8;
	v2 =	vmul.f32 $3.125000000e-02, v2;
	v5 =	vld [tilespmem:s26+$0x18050];
	[tilespmem:s29+$0x18060] =	vst v6  }
0x242: {  	s29 =	smov.u32 s26;
	v3 =	vmul.f32 $3.125000000e-02, v3;
	v6 =	vld [tilespmem:s26+$0x18060];
	[tilespmem:s26+$0x18070] =	vst v4;
	s26 =	sor.u32 s4, s2  }
.Ltmp13:
0x243: {  	v4 =	vld [tilespmem:s26+$0x18070];
	[tilespmem:s29+$0x18000] =	vst v2;
	v0 =	vmul.f32 $3.125000000e-02, v0;
	(pc) =	sbr.rel @p0 .LBB2_28-.Ltmp13, $4  }
0x244: {  	v2 =	vld [tilespmem:s26+$0x18000];
	[tilespmem:s29+$0x18010] =	vst v3;
	v1 =	vmul.f32 $3.125000000e-02, v1  }
0x245: {  	v3 =	vld [tilespmem:s26+$0x18010];
	[tilespmem:s29+$0x18020] =	vst v0;
	v7 =	vmul.f32 $3.125000000e-02, v7  }
0x246: {  	v0 =	vld [tilespmem:s26+$0x18020];
	[tilespmem:s29+$0x18030] =	vst v1;
	v5 =	vmul.f32 $3.125000000e-02, v5  }
0x247: {  	s31 =	sadd.s32 $0x10, s31;
	s28 =	sadd.s32 $0x400, s28;
	s0 =	sadd.s32 $0x80, s0;
	v1 =	vld [tilespmem:s26+$0x18030];
	[tilespmem:s29+$0x18040] =	vst v7;
	v6 =	vmul.f32 $3.125000000e-02, v6  }
0x248: {  	v7 =	vld [tilespmem:s26+$0x18040];
	v4 =	vmul.f32 $3.125000000e-02, v4;
	[tilespmem:s29+$0x18050] =	vst v5  }
0x249: {  	v5 =	vld [tilespmem:s26+$0x18050];
	v2 =	vmul.f32 $3.125000000e-02, v2;
	[tilespmem:s29+$0x18060] =	vst v6  }
0x24a: {  	v6 =	vld [tilespmem:s26+$0x18060];
	v3 =	vmul.f32 $3.125000000e-02, v3;
	[tilespmem:s26+$0x18070] =	vst v4  }
0x24b: {  	[tilespmem:s26+$0x18000] =	vst v2;
	v0 =	vmul.f32 $3.125000000e-02, v0  }
0x24c: {  	[tilespmem:s26+$0x18010] =	vst v3;
	v1 =	vmul.f32 $3.125000000e-02, v1  }
0x24d: {  	[tilespmem:s26+$0x18020] =	vst v0;
	v0 =	vmul.f32 $3.125000000e-02, v7  }
0x24e: {  	[tilespmem:s26+$0x18030] =	vst v1;
	v1 =	vmul.f32 $3.125000000e-02, v5  }
0x24f: {  	[tilespmem:s26+$0x18040] =	vst v0;
	v0 =	vmul.f32 $3.125000000e-02, v6  }
0x250: {  	[tilespmem:s26+$0x18050] =	vst v1  }
0x251: {  	[tilespmem:s26+$0x18060] =	vst v0  }
0x252: {  	s2 =	sld [smem:$0x7FA];
	_ =	sdelay $0x1  }
0x253: {  	s0 =	simm.s32 $0x0  }
0x254: {  	[hbm4b:s2+s0] =	stream.linear.scatter [tilespmem:s10], [sflag:$0xE], $0x4000, $0x38;
	[tilespmem:$0x1C000] =	vst v63  }
0x255: {  	s3 =	sand.u32 $0x1C00, s0;
	s26 =	sand.u32 $0x2000, s0;
	_ =	swait.ge [sflag:s11], $0x4000  }
0x256: {  	s0 =	sand.u32 $0x380, s0;
	s2 =	sor.u32 s3, s26;
	[sflag:s11] =	ssyncset.done $0x0  }
0x257: {  	s29 =	sor.u32 s0, s2;
	[sflag:s11] =	ssyncadd.s32 $0xFFFFC000  }
0x258: {  	v0 =	vld [tilespmem:s29+$0x70]  }
0x259: {  	v1 =	vld [tilespmem:s29+$0x0]  }
0x25a: {  	v2 =	vld [tilespmem:s29+$0x10]  }
0x25b: {  	v6 =	vld [tilespmem:s29+$0x40]  }
0x25c: {  	s4 =	simm.s32 $0x80;
	s3 =	simm.s32 $0x400;
	v3 =	vld [tilespmem:s29+$0x20]  }
0x25d: {  	s26 =	simm.s32 $0x10;
	s2 =	sand.u32 $0x2000, s4;
	s0 =	sand.u32 $0x1C00, s3;
	v5 =	vld [tilespmem:s29+$0x30];
	v0 =	vmul.f32 $3.125000000e-02, v0  }
0x25e: {  	s3 =	sand.u32 $0x380, s26;
	s0 =	sor.u32 s0, s2;
	v7 =	vld [tilespmem:s29+$0x50];
	v1 =	vmul.f32 $3.125000000e-02, v1  }
0x25f: {  	s26 =	sor.u32 s3, s0;
	v9 =	vld [tilespmem:s29+$0x60];
	v8 =	vmul.f32 $3.125000000e-02, v2;
	[tilespmem:s29+$0x70] =	vst v0  }
0x260: {  	v4 =	vld [tilespmem:s26+$0x70];
	v6 =	vmul.f32 $3.125000000e-02, v6;
	[tilespmem:s29+$0x0] =	vst v1  }
0x261: {  	v2 =	vld [tilespmem:s26+$0x0];
	v0 =	vmul.f32 $3.125000000e-02, v3;
	[tilespmem:s29+$0x10] =	vst v8  }
0x262: {  	v1 =	vmul.f32 $3.125000000e-02, v5;
	v3 =	vld [tilespmem:s26+$0x10];
	[tilespmem:s29+$0x40] =	vst v6  }
0x263: {  	s30 =	simm.s32 $0x8;
	v5 =	vmul.f32 $3.125000000e-02, v7;
	[tilespmem:s29+$0x20] =	vst v0;
	v0 =	vld [tilespmem:s26+$0x20]  }
0x264: {  	s31 =	simm.s32 $0x20;
	s28 =	simm.s32 $0x800;
	s0 =	simm.s32 $0x100;
	v6 =	vmul.f32 $3.125000000e-02, v9;
	[tilespmem:s29+$0x30] =	vst v1;
	v1 =	vld [tilespmem:s26+$0x30]  }
.LBB2_30:
0x265: {  	s2 =	sand.u32 $0x2000, s0;
	s3 =	sand.u32 $0x1C00, s28;
	s30 =	sadd.s32 $0x8, s30;
	v7 =	vld [tilespmem:s26+$0x40];
	v4 =	vmul.f32 $3.125000000e-02, v4;
	[tilespmem:s29+$0x50] =	vst v5  }
0x266: {  	s4 =	sand.u32 $0x380, s31;
	s2 =	sor.u32 s3, s2;
	p0 =	slt.u32 s30, $0x3F8;
	v2 =	vmul.f32 $3.125000000e-02, v2;
	v5 =	vld [tilespmem:s26+$0x50];
	[tilespmem:s29+$0x60] =	vst v6  }
0x267: {  	s29 =	smov.u32 s26;
	v3 =	vmul.f32 $3.125000000e-02, v3;
	v6 =	vld [tilespmem:s26+$0x60];
	[tilespmem:s26+$0x70] =	vst v4;
	s26 =	sor.u32 s4, s2  }
.Ltmp14:
0x268: {  	v4 =	vld [tilespmem:s26+$0x70];
	[tilespmem:s29+$0x0] =	vst v2;
	v0 =	vmul.f32 $3.125000000e-02, v0;
	(pc) =	sbr.rel @p0 .LBB2_30-.Ltmp14, $4  }
0x269: {  	v2 =	vld [tilespmem:s26+$0x0];
	[tilespmem:s29+$0x10] =	vst v3;
	v1 =	vmul.f32 $3.125000000e-02, v1  }
0x26a: {  	v3 =	vld [tilespmem:s26+$0x10];
	[tilespmem:s29+$0x20] =	vst v0;
	v7 =	vmul.f32 $3.125000000e-02, v7  }
0x26b: {  	v0 =	vld [tilespmem:s26+$0x20];
	[tilespmem:s29+$0x30] =	vst v1;
	v5 =	vmul.f32 $3.125000000e-02, v5  }
0x26c: {  	s31 =	sadd.s32 $0x10, s31;
	s28 =	sadd.s32 $0x400, s28;
	s0 =	sadd.s32 $0x80, s0;
	v1 =	vld [tilespmem:s26+$0x30];
	[tilespmem:s29+$0x40] =	vst v7;
	v6 =	vmul.f32 $3.125000000e-02, v6  }
0x26d: {  	v7 =	vld [tilespmem:s26+$0x40];
	v4 =	vmul.f32 $3.125000000e-02, v4;
	[tilespmem:s29+$0x50] =	vst v5  }
0x26e: {  	v5 =	vld [tilespmem:s26+$0x50];
	v2 =	vmul.f32 $3.125000000e-02, v2;
	[tilespmem:s29+$0x60] =	vst v6  }
0x26f: {  	v6 =	vld [tilespmem:s26+$0x60];
	v3 =	vmul.f32 $3.125000000e-02, v3;
	[tilespmem:s26+$0x70] =	vst v4  }
0x270: {  	[tilespmem:s26+$0x0] =	vst v2;
	v0 =	vmul.f32 $3.125000000e-02, v0  }
0x271: {  	[tilespmem:s26+$0x10] =	vst v3;
	v1 =	vmul.f32 $3.125000000e-02, v1  }
0x272: {  	[tilespmem:s26+$0x20] =	vst v0;
	v0 =	vmul.f32 $3.125000000e-02, v7  }
0x273: {  	[tilespmem:s26+$0x30] =	vst v1;
	v1 =	vmul.f32 $3.125000000e-02, v5  }
0x274: {  	[tilespmem:s26+$0x40] =	vst v0;
	v0 =	vmul.f32 $3.125000000e-02, v6  }
0x275: {  	[tilespmem:s26+$0x50] =	vst v1  }
0x276: {  	[tilespmem:s26+$0x60] =	vst v0  }
0x277: {  	s2 =	sld [smem:$0x7FB];
	_ =	sdelay $0x1  }
0x278: {  	s0 =	simm.s32 $0x0  }
0x279: {  	[hbm4b:s2+s0] =	stream.linear.scatter [tilespmem:s0], [sflag:$0x8], $0x4000, $0x38;
	[tilespmem:$0x1C000] =	vst v63  }
0x27a: {  	s3 =	sand.u32 $0x1C00, s0;
	s26 =	sand.u32 $0x2000, s0;
	_ =	swait.ge [sflag:s13], $0x4000  }
0x27b: {  	s0 =	sand.u32 $0x380, s0;
	s2 =	sor.u32 s3, s26;
	[sflag:s13] =	ssyncset.done $0x0  }
0x27c: {  	s29 =	sor.u32 s0, s2;
	[sflag:s13] =	ssyncadd.s32 $0xFFFFC000  }
0x27d: {  	v0 =	vld [tilespmem:s29+$0x4070]  }
0x27e: {  	v1 =	vld [tilespmem:s29+$0x4000]  }
0x27f: {  	v2 =	vld [tilespmem:s29+$0x4010]  }
0x280: {  	v6 =	vld [tilespmem:s29+$0x4040]  }
0x281: {  	s4 =	simm.s32 $0x80;
	s3 =	simm.s32 $0x400;
	v3 =	vld [tilespmem:s29+$0x4020]  }
0x282: {  	s26 =	simm.s32 $0x10;
	s2 =	sand.u32 $0x2000, s4;
	s0 =	sand.u32 $0x1C00, s3;
	v5 =	vld [tilespmem:s29+$0x4030];
	v0 =	vmul.f32 $3.125000000e-02, v0  }
0x283: {  	s3 =	sand.u32 $0x380, s26;
	s0 =	sor.u32 s0, s2;
	v7 =	vld [tilespmem:s29+$0x4050];
	v1 =	vmul.f32 $3.125000000e-02, v1  }
0x284: {  	s26 =	sor.u32 s3, s0;
	v9 =	vld [tilespmem:s29+$0x4060];
	v8 =	vmul.f32 $3.125000000e-02, v2;
	[tilespmem:s29+$0x4070] =	vst v0  }
0x285: {  	v4 =	vld [tilespmem:s26+$0x4070];
	v6 =	vmul.f32 $3.125000000e-02, v6;
	[tilespmem:s29+$0x4000] =	vst v1  }
0x286: {  	v2 =	vld [tilespmem:s26+$0x4000];
	v0 =	vmul.f32 $3.125000000e-02, v3;
	[tilespmem:s29+$0x4010] =	vst v8  }
0x287: {  	v1 =	vmul.f32 $3.125000000e-02, v5;
	v3 =	vld [tilespmem:s26+$0x4010];
	[tilespmem:s29+$0x4040] =	vst v6  }
0x288: {  	s30 =	simm.s32 $0x8;
	v5 =	vmul.f32 $3.125000000e-02, v7;
	[tilespmem:s29+$0x4020] =	vst v0;
	v0 =	vld [tilespmem:s26+$0x4020]  }
0x289: {  	s31 =	simm.s32 $0x20;
	s28 =	simm.s32 $0x800;
	s0 =	simm.s32 $0x100;
	v6 =	vmul.f32 $3.125000000e-02, v9;
	[tilespmem:s29+$0x4030] =	vst v1;
	v1 =	vld [tilespmem:s26+$0x4030]  }
.LBB2_32:
0x28a: {  	s2 =	sand.u32 $0x2000, s0;
	s3 =	sand.u32 $0x1C00, s28;
	s30 =	sadd.s32 $0x8, s30;
	v7 =	vld [tilespmem:s26+$0x4040];
	v4 =	vmul.f32 $3.125000000e-02, v4;
	[tilespmem:s29+$0x4050] =	vst v5  }
0x28b: {  	s4 =	sand.u32 $0x380, s31;
	s2 =	sor.u32 s3, s2;
	p0 =	slt.u32 s30, $0x3F8;
	v2 =	vmul.f32 $3.125000000e-02, v2;
	v5 =	vld [tilespmem:s26+$0x4050];
	[tilespmem:s29+$0x4060] =	vst v6  }
0x28c: {  	s29 =	smov.u32 s26;
	v3 =	vmul.f32 $3.125000000e-02, v3;
	v6 =	vld [tilespmem:s26+$0x4060];
	[tilespmem:s26+$0x4070] =	vst v4;
	s26 =	sor.u32 s4, s2  }
.Ltmp15:
0x28d: {  	v4 =	vld [tilespmem:s26+$0x4070];
	[tilespmem:s29+$0x4000] =	vst v2;
	v0 =	vmul.f32 $3.125000000e-02, v0;
	(pc) =	sbr.rel @p0 .LBB2_32-.Ltmp15, $4  }
0x28e: {  	v2 =	vld [tilespmem:s26+$0x4000];
	[tilespmem:s29+$0x4010] =	vst v3;
	v1 =	vmul.f32 $3.125000000e-02, v1  }
0x28f: {  	v3 =	vld [tilespmem:s26+$0x4010];
	[tilespmem:s29+$0x4020] =	vst v0;
	v7 =	vmul.f32 $3.125000000e-02, v7  }
0x290: {  	v0 =	vld [tilespmem:s26+$0x4020];
	[tilespmem:s29+$0x4030] =	vst v1;
	v5 =	vmul.f32 $3.125000000e-02, v5  }
0x291: {  	s31 =	sadd.s32 $0x10, s31;
	s28 =	sadd.s32 $0x400, s28;
	s0 =	sadd.s32 $0x80, s0;
	v1 =	vld [tilespmem:s26+$0x4030];
	[tilespmem:s29+$0x4040] =	vst v7;
	v6 =	vmul.f32 $3.125000000e-02, v6  }
0x292: {  	v7 =	vld [tilespmem:s26+$0x4040];
	v4 =	vmul.f32 $3.125000000e-02, v4;
	[tilespmem:s29+$0x4050] =	vst v5  }
0x293: {  	v59 =	vld [tilespmem:s26+$0x4050];
	v2 =	vmul.f32 $3.125000000e-02, v2;
	[tilespmem:s29+$0x4060] =	vst v6  }
0x294: {  	v60 =	vld [tilespmem:s26+$0x4060];
	v3 =	vmul.f32 $3.125000000e-02, v3;
	[tilespmem:s26+$0x4070] =	vst v4  }
0x295: {  	[tilespmem:s26+$0x4000] =	vst v2;
	v0 =	vmul.f32 $3.125000000e-02, v0  }
0x296: {  	[tilespmem:s26+$0x4010] =	vst v3;
	v1 =	vmul.f32 $3.125000000e-02, v1  }
0x297: {  	[tilespmem:s26+$0x4020] =	vst v0;
	v61 =	vmul.f32 $3.125000000e-02, v7  }
0x298: {  	v62 =	vmul.f32 $3.125000000e-02, v59;
	[tilespmem:s26+$0x4030] =	vst v1  }
0x299: {  	v63 =	vmul.f32 $3.125000000e-02, v60;
	[tilespmem:s26+$0x4040] =	vst v61  }
0x29a: {  	[tilespmem:s26+$0x4050] =	vst v62  }
0x29b: {  	[tilespmem:s26+$0x4060] =	vst v63  }
0x29c: {  	s0 =	sld [smem:$0x7FC];
	_ =	sdelay $0x2  }
0x29d: {  	[hbm4b:s0+s1] =	stream.linear.scatter [tilespmem:s5], [sflag:$0x9], $0x4000, $0x38;
	[tilespmem:$0x1C000] =	vst v63  }
0x29e: {  	_ =	swait.ge [sflag:s16], $0x4000  }
0x29f: {  	[sflag:s16] =	ssyncset.done $0x0  }
0x2a0: {  	[sflag:s16] =	ssyncadd.s32 $0xFFFFC000  }
0x2a1: {  	_ =	swait.ge [sflag:s18], $0x4000  }
0x2a2: {  	[sflag:s18] =	ssyncset.done $0x0  }
0x2a3: {  	[sflag:s18] =	ssyncadd.s32 $0xFFFFC000  }
0x2a4: {  	_ =	swait.ge [sflag:s20], $0x4000  }
0x2a5: {  	[sflag:s20] =	ssyncset.done $0x0  }
0x2a6: {  	[sflag:s20] =	ssyncadd.s32 $0xFFFFC000  }
0x2a7: {  	_ =	swait.ge [sflag:s22], $0x4000  }
0x2a8: {  	[sflag:s22] =	ssyncset.done $0x0  }
0x2a9: {  	[sflag:s22] =	ssyncadd.s32 $0xFFFFC000  }
0x2aa: {  	_ =	swait.ge [sflag:s24], $0x4000  }
0x2ab: {  	[sflag:s24] =	ssyncset.done $0x0  }
0x2ac: {  	[sflag:s24] =	ssyncadd.s32 $0xFFFFC000  }
0x2ad: {  	_ =	swait.ge [sflag:s12], $0x4000  }
0x2ae: {  	[sflag:s12] =	ssyncset.done $0x0  }
0x2af: {  	[sflag:s12] =	ssyncadd.s32 $0xFFFFC000  }
0x2b0: {  	_ =	swait.ge [sflag:s14], $0x4000  }
0x2b1: {  	s31 =	sld [smem:$0x7FD];
	_ =	sdelay $0x1  }
0x2b2: {  	s25 =	sadd.s32 $0x1, s25  }
0x2b3: {  	p0 =	sne.s32 s25, s31  }
.Ltmp16:
0x2b4: {  	_ = 	snop;
	(pc) =	sbr.rel @p0 .LBB2_1-.Ltmp16, $3  }
0x2b5: {  	_ =	sdelay $0x1  }
0x2b6: {  	[sflag:s14] =	ssyncset.done $0x0  }
0x2b7: {  	[sflag:s14] =	ssyncadd.s32 $0xFFFFC000  }
0x2b8: {  	_ =	sfence.sel $0x180000  }
0x2b9: {  	[bflag:$0x0] =	sbarrier.arrive $0xFFFF  }
0x2ba: {  	_ =	strace $0x90000047  }
0x2bb: {  	s0 =	stileid.u32;
	[bflag:$0x2] =	sbarrier.arrive $0xFFFF  }
0x2bc: {  	p0 =	sne.s32 s0, $0x0;
	s0 =	rddreg [dreg:$0x2]  }
0x2bd: {  	s0 =	sadd.s32 @!p0 $0x100000, s0  }
0x2be: {  	[sflag:s0] =	ssyncadd.tile.s32 @!p0 $0x1;
	_ =	shalt  }
.Lfunc_end2:
_tile_overlayer_lowered:
.L_overlay_start_2:
0x2bf: {  	(tag) =	ssettag $0x2  }
0x2c0: {  	s0 =	rddreg [dreg:$0x0];
	s2 =	stileid.u32  }
0x2c1: {  	s1 =	rddreg [dreg:$0x1];
	p0 =	sne.s32 s2, $0x0  }
0x2c2: {  	s3 =	rddreg [dreg:$0x2];
	[bflag:$0x3] =	sbarrier.arrive $0xFFFF;
	s2 =	simm.s32 @!p0 $0x1C0F  }
0x2c3: {  	[timem:s3], [sflag:s2] =	dma.local @!p0 [hbm:s0], s1  }
0x2c4: {  	s0 =	simm.s32 @!p0 $0xF  }
0x2c5: {  	_ =	swait.ge @!p0 [sflag:s0], s1  }
0x2c6: {  	s1 =	ssub.s32 @!p0 $0x0, s1;
	[sflag:s0] =	ssyncset.done @!p0 $0x0  }
0x2c7: {  	[sflag:s0] =	ssyncadd.s32 @!p0 s1  }
0x2c8: {  	[bflag:$0x3] =	sbarrier.arrive $0xFFFF  }
0x2c9: {  	_ =	shalt  }

</sc_bundles>
